<compile_context>
chip_gen: v7x
topology: tpu7x:2x2x1
jax: 0.10.2.dev20260603
libtpu: 0.0.44.dev20260713+nightly
codegen_flags: <defaults>
</compile_context>

<pallas_src>
import functools

import numpy as np
import jax
import jax.numpy as jnp
from jax import lax
from jax.experimental import pallas as pl
from jax.experimental.pallas import tpu as pltpu
from jax.experimental.pallas import tpu_sc as plsc

_N_FREQ = 10
_SINE_DIM = _N_FREQ * 2
_D_EMB = 20

_FREQS = np.array(
    [[1.0 / 1000.0 ** (2.0 * i / _N_FREQ)] * 2 for i in range(1, _N_FREQ + 1)],
    dtype=np.float32,
).reshape(-1, 1)
_SHIFTS = np.array(
    [[0.0, np.pi / 2.0] for _ in range(1, _N_FREQ + 1)], dtype=np.float32
).reshape(-1, 1)

_NC = 2
_NS = 16
_NW = _NC * _NS
_CHUNK = 128


def _sc_gather_cols(table2, rix3, B):
    bpw = B // _NW
    nch = bpw // _CHUNK
    mesh = plsc.VectorSubcoreMesh(core_axis_name="c", subcore_axis_name="s")

    @functools.partial(
        pl.kernel,
        mesh=mesh,
        out_type=jax.ShapeDtypeStruct((_D_EMB, B), jnp.float32),
        scratch_types=[
            pltpu.VMEM((nch, _CHUNK), jnp.int32),
            pltpu.VMEM((_D_EMB * bpw,), jnp.float32),
            pltpu.SemaphoreType.DMA,
        ],
    )
    def gather_kernel(rix_hbm, table_hbm, out_hbm, idx_v, rows_v, sem):
        wid = lax.axis_index("s") * _NC + lax.axis_index("c")
        pltpu.sync_copy(rix_hbm.at[wid], idx_v)

        @pl.loop(0, _D_EMB)
        def fire(d):
            for c in range(nch):
                pltpu.async_copy(
                    table_hbm.at[d, 0].at[idx_v.at[c]],
                    rows_v.at[pl.ds(d * bpw + c * _CHUNK, _CHUNK)],
                    sem,
                )

        pltpu.make_async_copy(
            table_hbm.at[0, 0].at[pl.ds(0, _D_EMB * bpw)], rows_v, sem
        ).wait()

        puts = [
            pltpu.async_copy(
                rows_v.at[pl.ds(d * bpw, bpw)],
                out_hbm.at[d, pl.ds(wid * bpw, bpw)],
                sem,
            )
            for d in range(_D_EMB)
        ]
        for p in puts:
            p.wait()

    return gather_kernel(rix3, table2)


def _tc_combine_t(coords_row, w0, b0c, gt):
    B = coords_row.shape[1]
    blk = min(B, 8192)
    grid = B // blk
    fs = jnp.asarray(_FREQS)
    sh = jnp.asarray(_SHIFTS)

    def body(c_ref, w_ref, b_ref, f_ref, s_ref, g_ref, o_ref):
        c = c_ref[...]
        x = f_ref[...] * c + s_ref[...]
        e = jnp.sin(x)
        h = jnp.dot(w_ref[...], e, preferred_element_type=jnp.float32)
        h = jax.nn.sigmoid(h + b_ref[...])
        o_ref[...] = jnp.sum(h * g_ref[...], axis=0, keepdims=True)

    return pl.pallas_call(
        body,
        grid=(grid,),
        in_specs=[
            pl.BlockSpec((1, blk), lambda i: (0, i)),
            pl.BlockSpec((_D_EMB, _SINE_DIM), lambda i: (0, 0)),
            pl.BlockSpec((_D_EMB, 1), lambda i: (0, 0)),
            pl.BlockSpec((_SINE_DIM, 1), lambda i: (0, 0)),
            pl.BlockSpec((_SINE_DIM, 1), lambda i: (0, 0)),
            pl.BlockSpec((_D_EMB, blk), lambda i: (0, i)),
        ],
        out_specs=pl.BlockSpec((1, blk), lambda i: (0, i)),
        out_shape=jax.ShapeDtypeStruct((1, B), jnp.float32),
    )(coords_row, w0, b0c, fs, sh, gt)


def kernel(coordinates, region_ix, W0, b0, weight1):
    B = coordinates.shape[0]
    rix = region_ix.astype(jnp.int32)
    table2 = weight1.transpose(1, 2, 0)
    rix3 = rix.reshape(_NW, B // _NW // _CHUNK, _CHUNK)
    gt = _sc_gather_cols(table2, rix3, B)
    out_row = _tc_combine_t(
        coordinates.reshape(1, B),
        W0,
        b0.reshape(-1, 1),
        gt,
    )
    return out_row.reshape(B, 1)

# --- scband reference (transcript-rebuilt; emitter-appended) ---
"""Pipeline reference for scband-cut-embedder-sine-42219528520000 (READ-ONLY COPY).

The authoritative reference and input builder live on the scoring server;
editing this copy changes nothing except your own understanding.
"""

import jax, jax.numpy as jnp
import numpy as np

N_REGIONS = 1000000
N_FREQ = 10
D_EMB = 20
D_OUT = 1
B = 16384
SINE_DIM = N_FREQ * 2  # n_coordinates = 1


def _freqs_shifts():
    freqs = np.array([[1.0 / 1000.0 ** (2.0 * i / N_FREQ)] * 2 for i in range(1, N_FREQ + 1)], dtype=np.float32).reshape(-1)
    shifts = np.array([[0.0, np.pi / 2.0] for _ in range(1, N_FREQ + 1)], dtype=np.float32).reshape(-1)
    return jnp.asarray(freqs), jnp.asarray(shifts)


def setup_inputs(seed: int = 0) -> dict:
    key = jax.random.key(seed)
    k1, k2, k3, k4, k5 = jax.random.split(key, 5)
    coordinates = jax.random.normal(k1, (B,), dtype=jnp.float32)
    region_ix = jax.random.randint(k2, (B,), 0, N_REGIONS)
    lim = 1.0 / np.sqrt(SINE_DIM)
    W0 = jax.random.uniform(k3, (D_EMB, SINE_DIM), minval=-lim, maxval=lim, dtype=jnp.float32)
    b0 = jax.random.uniform(k4, (D_EMB,), minval=-lim, maxval=lim, dtype=jnp.float32)
    # NOTE: original code zero-inits weight1; we use small random values so the
    # computation (gather + batched matvec) is numerically non-degenerate.
    weight1 = jax.random.normal(k5, (N_REGIONS, D_EMB, D_OUT), dtype=jnp.float32) * 0.02
    return {"coordinates": coordinates, "region_ix": region_ix, "W0": W0, "b0": b0, "weight1": weight1}


def reference(coordinates, region_ix, W0, b0, weight1):
    freqs, shifts = _freqs_shifts()
    # SineEncoding: coordinates[..., None] * frequencies + shifts, flatten last dims
    emb = jnp.sin(coordinates[:, None] * freqs[None, :] + shifts[None, :])  # [B, 20]
    # nn: Linear(SINE_DIM -> D_EMB) followed by Sigmoid (n_layers=1, dropout=0)
    emb = jax.nn.sigmoid(emb @ W0.T + b0)  # [B, D_EMB]
    # EmbeddingTensor lookup: sparse gather of per-region weight matrices
    w = jnp.take(weight1, region_ix, axis=0)  # [B, D_EMB, D_OUT]
    out = jnp.einsum('ab,abc->ac', emb, w)  # [B, D_OUT]
    return out

if __name__ == "__main__":
    import jax
    _d = setup_inputs()
    print(jax.jit(kernel)(*tuple(_d.values())))

</pallas_src>

<mosaic_0001>
#map = affine_map<(d0, d1) -> (0, 0, 0)>
#map1 = affine_map<(d0, d1) -> (0, 0)>
module attributes {stable_mosaic.version = 14 : i64} {
  func.func @gather_kernel(%arg0: i32, %arg1: i32, %arg2: memref<32x4x128xi32, #tpu.memory_space<hbm>>, %arg3: memref<20x1x1000000xf32, #tpu.memory_space<hbm>>, %arg4: memref<20x16384xf32, #tpu.memory_space<hbm>>, %arg5: memref<4x128xi32, #tpu.memory_space<vmem>>, %arg6: memref<10240xf32, #tpu.memory_space<vmem>>, %arg7: memref<!tpu.dma_semaphore, #tpu.memory_space<semaphore_mem>>) attributes {dimension_semantics = [#tpu.dimension_semantics<core_parallel>, #tpu.dimension_semantics<subcore_parallel>], iteration_bounds = array<i64: 2, 16>, scalar_prefetch = 0 : i64, scratch_operands = 3 : i64, tpu.core_type = #tpu.core_type<sc_vector_subcore>, window_params = [{transform_indices = #map}, {transform_indices = #map}, {transform_indices = #map1}]} {
    %mul3A = arith.constant 2 : i32
    %mul3A_0 = arith.muli %arg1, %mul3A : i32
    %add3A = arith.addi %mul3A_0, %arg0 : i32
    "tpu.region"() ({
      %run_scoped3A = tpu.sem_alloc : memref<!tpu.dma_semaphore, #tpu.memory_space<semaphore_mem>>
      %dma_start3A_415 = arith.constant 0 : i32
      %dma_start3A_416 = arith.constant 0 : i32
      %dma_start3A_417 = tpu.memref_slice %arg2[%add3A, %dma_start3A_415, %dma_start3A_416] : memref<32x4x128xi32, #tpu.memory_space<hbm>> -> memref<1x4x128xi32, #tpu.memory_space<hbm>>
      %dma_start3A_418 = tpu.memref_squeeze %dma_start3A_417 : memref<1x4x128xi32, #tpu.memory_space<hbm>> -> memref<4x128xi32, #tpu.memory_space<hbm>>
      %dma_start3A_419 = arith.constant 0 : i32
      %dma_start3A_420 = arith.constant 0 : i32
      %dma_start3A_421 = tpu.memref_slice %arg2[%add3A, %dma_start3A_419, %dma_start3A_420] : memref<32x4x128xi32, #tpu.memory_space<hbm>> -> memref<1x4x128xi32, #tpu.memory_space<hbm>>
      %dma_start3A_422 = tpu.memref_squeeze %dma_start3A_421 : memref<1x4x128xi32, #tpu.memory_space<hbm>> -> memref<4x128xi32, #tpu.memory_space<hbm>>
      tpu.enqueue_dma source(%dma_start3A_422 : memref<4x128xi32, #tpu.memory_space<hbm>>) target(%arg5 : memref<4x128xi32, #tpu.memory_space<vmem>>) target_semaphore(%run_scoped3A : memref<!tpu.dma_semaphore, #tpu.memory_space<semaphore_mem>>)
      %dma_wait3A_423 = arith.constant 0 : i32
      %dma_wait3A_424 = arith.constant 0 : i32
      %dma_wait3A_425 = tpu.memref_slice %arg2[%add3A, %dma_wait3A_423, %dma_wait3A_424] : memref<32x4x128xi32, #tpu.memory_space<hbm>> -> memref<1x4x128xi32, #tpu.memory_space<hbm>>
      %dma_wait3A_426 = tpu.memref_squeeze %dma_wait3A_425 : memref<1x4x128xi32, #tpu.memory_space<hbm>> -> memref<4x128xi32, #tpu.memory_space<hbm>>
      %dma_wait3A_427 = arith.constant 0 : i32
      %dma_wait3A_428 = arith.constant 0 : i32
      %dma_wait3A_429 = tpu.memref_slice %arg2[%add3A, %dma_wait3A_427, %dma_wait3A_428] : memref<32x4x128xi32, #tpu.memory_space<hbm>> -> memref<1x4x128xi32, #tpu.memory_space<hbm>>
      %dma_wait3A_430 = tpu.memref_squeeze %dma_wait3A_429 : memref<1x4x128xi32, #tpu.memory_space<hbm>> -> memref<4x128xi32, #tpu.memory_space<hbm>>
      tpu.wait_dma2 semaphore(%run_scoped3A : memref<!tpu.dma_semaphore, #tpu.memory_space<semaphore_mem>>) src(%dma_wait3A_430 : memref<4x128xi32, #tpu.memory_space<hbm>>) dst(%arg5 : memref<4x128xi32, #tpu.memory_space<vmem>>)
      tpu.yield
    }) : () -> ()
    %scan3A = arith.constant 0 : i32
    %scan3A_1 = arith.constant 20 : i32
    %scan3A_2 = arith.addi %scan3A, %scan3A_1 : i32
    %scan3A_3 = arith.constant 1 : i32
    scf.for %scan3A_415 = %scan3A to %scan3A_2 step %scan3A_3  : i32 {
      %mul3A_416 = arith.constant 1 : i32
      %mul3A_417 = arith.muli %scan3A_415, %mul3A_416 : i32
      %add3A_418 = arith.constant 0 : i32
      %add3A_419 = arith.addi %add3A_418, %mul3A_417 : i32
      %mul3A_420 = arith.constant 512 : i32
      %mul3A_421 = arith.muli %add3A_419, %mul3A_420 : i32
      %add3A_422 = arith.constant 0 : i32
      %add3A_423 = arith.addi %mul3A_421, %add3A_422 : i32
      %dma_start3A_424 = arith.constant 0 : i32
      %dma_start3A_425 = arith.constant 0 : i32
      %dma_start3A_426 = tpu.memref_slice %arg6[%add3A_423] : memref<10240xf32, #tpu.memory_space<vmem>> -> memref<128xf32, #tpu.memory_space<vmem>>
      %dma_start3A_427 = arith.constant 0 : i32
      %dma_start3A_428 = tpu.memref_slice %arg5[%dma_start3A_425, %dma_start3A_427] : memref<4x128xi32, #tpu.memory_space<vmem>> -> memref<1x128xi32, #tpu.memory_space<vmem>>
      %dma_start3A_429 = tpu.memref_squeeze %dma_start3A_428 : memref<1x128xi32, #tpu.memory_space<vmem>> -> memref<128xi32, #tpu.memory_space<vmem>>
      %dma_start3A_430 = arith.constant 0 : i32
      %dma_start3A_431 = tpu.memref_slice %arg3[%add3A_419, %dma_start3A_424, %dma_start3A_430] : memref<20x1x1000000xf32, #tpu.memory_space<hbm>> -> memref<1x1x1000000xf32, #tpu.memory_space<hbm>>
      %dma_start3A_432 = tpu.memref_squeeze %dma_start3A_431 : memref<1x1x1000000xf32, #tpu.memory_space<hbm>> -> memref<1000000xf32, #tpu.memory_space<hbm>>
      %dma_start3A_433 = arith.constant 0 : i32
      %dma_start3A_434 = tpu.memref_slice %dma_start3A_432[%dma_start3A_433] : memref<1000000xf32, #tpu.memory_space<hbm>> -> memref<1000000xf32, #tpu.memory_space<hbm>>
      tpu.enqueue_indirect_dma source(%dma_start3A_434 : memref<1000000xf32, #tpu.memory_space<hbm>>) target(%dma_start3A_426 : memref<128xf32, #tpu.memory_space<vmem>>) offsets(%dma_start3A_429 : memref<128xi32, #tpu.memory_space<vmem>>) semaphore(%arg7 : memref<!tpu.dma_semaphore, #tpu.memory_space<semaphore_mem>>)
      %mul3A_435 = arith.constant 512 : i32
      %mul3A_436 = arith.muli %add3A_419, %mul3A_435 : i32
      %add3A_437 = arith.constant 128 : i32
      %add3A_438 = arith.addi %mul3A_436, %add3A_437 : i32
      %dma_start3A_439 = arith.constant 0 : i32
      %dma_start3A_440 = arith.constant 1 : i32
      %dma_start3A_441 = tpu.memref_slice %arg6[%add3A_438] : memref<10240xf32, #tpu.memory_space<vmem>> -> memref<128xf32, #tpu.memory_space<vmem>>
      %dma_start3A_442 = arith.constant 0 : i32
      %dma_start3A_443 = tpu.memref_slice %arg5[%dma_start3A_440, %dma_start3A_442] : memref<4x128xi32, #tpu.memory_space<vmem>> -> memref<1x128xi32, #tpu.memory_space<vmem>>
      %dma_start3A_444 = tpu.memref_squeeze %dma_start3A_443 : memref<1x128xi32, #tpu.memory_space<vmem>> -> memref<128xi32, #tpu.memory_space<vmem>>
      %dma_start3A_445 = arith.constant 0 : i32
      %dma_start3A_446 = tpu.memref_slice %arg3[%add3A_419, %dma_start3A_439, %dma_start3A_445] : memref<20x1x1000000xf32, #tpu.memory_space<hbm>> -> memref<1x1x1000000xf32, #tpu.memory_space<hbm>>
      %dma_start3A_447 = tpu.memref_squeeze %dma_start3A_446 : memref<1x1x1000000xf32, #tpu.memory_space<hbm>> -> memref<1000000xf32, #tpu.memory_space<hbm>>
      %dma_start3A_448 = arith.constant 0 : i32
      %dma_start3A_449 = tpu.memref_slice %dma_start3A_447[%dma_start3A_448] : memref<1000000xf32, #tpu.memory_space<hbm>> -> memref<1000000xf32, #tpu.memory_space<hbm>>
      tpu.enqueue_indirect_dma source(%dma_start3A_449 : memref<1000000xf32, #tpu.memory_space<hbm>>) target(%dma_start3A_441 : memref<128xf32, #tpu.memory_space<vmem>>) offsets(%dma_start3A_444 : memref<128xi32, #tpu.memory_space<vmem>>) semaphore(%arg7 : memref<!tpu.dma_semaphore, #tpu.memory_space<semaphore_mem>>)
      %mul3A_450 = arith.constant 512 : i32
      %mul3A_451 = arith.muli %add3A_419, %mul3A_450 : i32
      %add3A_452 = arith.constant 256 : i32
      %add3A_453 = arith.addi %mul3A_451, %add3A_452 : i32
      %dma_start3A_454 = arith.constant 0 : i32
      %dma_start3A_455 = arith.constant 2 : i32
      %dma_start3A_456 = tpu.memref_slice %arg6[%add3A_453] : memref<10240xf32, #tpu.memory_space<vmem>> -> memref<128xf32, #tpu.memory_space<vmem>>
      %dma_start3A_457 = arith.constant 0 : i32
      %dma_start3A_458 = tpu.memref_slice %arg5[%dma_start3A_455, %dma_start3A_457] : memref<4x128xi32, #tpu.memory_space<vmem>> -> memref<1x128xi32, #tpu.memory_space<vmem>>
      %dma_start3A_459 = tpu.memref_squeeze %dma_start3A_458 : memref<1x128xi32, #tpu.memory_space<vmem>> -> memref<128xi32, #tpu.memory_space<vmem>>
      %dma_start3A_460 = arith.constant 0 : i32
      %dma_start3A_461 = tpu.memref_slice %arg3[%add3A_419, %dma_start3A_454, %dma_start3A_460] : memref<20x1x1000000xf32, #tpu.memory_space<hbm>> -> memref<1x1x1000000xf32, #tpu.memory_space<hbm>>
      %dma_start3A_462 = tpu.memref_squeeze %dma_start3A_461 : memref<1x1x1000000xf32, #tpu.memory_space<hbm>> -> memref<1000000xf32, #tpu.memory_space<hbm>>
      %dma_start3A_463 = arith.constant 0 : i32
      %dma_start3A_464 = tpu.memref_slice %dma_start3A_462[%dma_start3A_463] : memref<1000000xf32, #tpu.memory_space<hbm>> -> memref<1000000xf32, #tpu.memory_space<hbm>>
      tpu.enqueue_indirect_dma source(%dma_start3A_464 : memref<1000000xf32, #tpu.memory_space<hbm>>) target(%dma_start3A_456 : memref<128xf32, #tpu.memory_space<vmem>>) offsets(%dma_start3A_459 : memref<128xi32, #tpu.memory_space<vmem>>) semaphore(%arg7 : memref<!tpu.dma_semaphore, #tpu.memory_space<semaphore_mem>>)
      %mul3A_465 = arith.constant 512 : i32
      %mul3A_466 = arith.muli %add3A_419, %mul3A_465 : i32
      %add3A_467 = arith.constant 384 : i32
      %add3A_468 = arith.addi %mul3A_466, %add3A_467 : i32
      %dma_start3A_469 = arith.constant 0 : i32
      %dma_start3A_470 = arith.constant 3 : i32
      %dma_start3A_471 = tpu.memref_slice %arg6[%add3A_468] : memref<10240xf32, #tpu.memory_space<vmem>> -> memref<128xf32, #tpu.memory_space<vmem>>
      %dma_start3A_472 = arith.constant 0 : i32
      %dma_start3A_473 = tpu.memref_slice %arg5[%dma_start3A_470, %dma_start3A_472] : memref<4x128xi32, #tpu.memory_space<vmem>> -> memref<1x128xi32, #tpu.memory_space<vmem>>
      %dma_start3A_474 = tpu.memref_squeeze %dma_start3A_473 : memref<1x128xi32, #tpu.memory_space<vmem>> -> memref<128xi32, #tpu.memory_space<vmem>>
      %dma_start3A_475 = arith.constant 0 : i32
      %dma_start3A_476 = tpu.memref_slice %arg3[%add3A_419, %dma_start3A_469, %dma_start3A_475] : memref<20x1x1000000xf32, #tpu.memory_space<hbm>> -> memref<1x1x1000000xf32, #tpu.memory_space<hbm>>
      %dma_start3A_477 = tpu.memref_squeeze %dma_start3A_476 : memref<1x1x1000000xf32, #tpu.memory_space<hbm>> -> memref<1000000xf32, #tpu.memory_space<hbm>>
      %dma_start3A_478 = arith.constant 0 : i32
      %dma_start3A_479 = tpu.memref_slice %dma_start3A_477[%dma_start3A_478] : memref<1000000xf32, #tpu.memory_space<hbm>> -> memref<1000000xf32, #tpu.memory_space<hbm>>
      tpu.enqueue_indirect_dma source(%dma_start3A_479 : memref<1000000xf32, #tpu.memory_space<hbm>>) target(%dma_start3A_471 : memref<128xf32, #tpu.memory_space<vmem>>) offsets(%dma_start3A_474 : memref<128xi32, #tpu.memory_space<vmem>>) semaphore(%arg7 : memref<!tpu.dma_semaphore, #tpu.memory_space<semaphore_mem>>)
    }
    %scan3A_4 = arith.constant 20 : i32
    %dma_wait3A = arith.constant 0 : i32
    %dma_wait3A_5 = arith.constant 0 : i32
    %dma_wait3A_6 = arith.constant 0 : i32
    %dma_wait3A_7 = tpu.memref_slice %arg3[%dma_wait3A, %dma_wait3A_5, %dma_wait3A_6] : memref<20x1x1000000xf32, #tpu.memory_space<hbm>> -> memref<1x1x1000000xf32, #tpu.memory_space<hbm>>
    %dma_wait3A_8 = tpu.memref_squeeze %dma_wait3A_7 : memref<1x1x1000000xf32, #tpu.memory_space<hbm>> -> memref<1000000xf32, #tpu.memory_space<hbm>>
    %dma_wait3A_9 = arith.constant 0 : i32
    %dma_wait3A_10 = tpu.memref_slice %dma_wait3A_8[%dma_wait3A_9] : memref<1000000xf32, #tpu.memory_space<hbm>> -> memref<10240xf32, #tpu.memory_space<hbm>>
    %dma_wait3A_11 = arith.constant 0 : i32
    %dma_wait3A_12 = tpu.memref_slice %arg3[%dma_wait3A, %dma_wait3A_5, %dma_wait3A_11] : memref<20x1x1000000xf32, #tpu.memory_space<hbm>> -> memref<1x1x1000000xf32, #tpu.memory_space<hbm>>
    %dma_wait3A_13 = tpu.memref_squeeze %dma_wait3A_12 : memref<1x1x1000000xf32, #tpu.memory_space<hbm>> -> memref<1000000xf32, #tpu.memory_space<hbm>>
    %dma_wait3A_14 = arith.constant 0 : i32
    %dma_wait3A_15 = tpu.memref_slice %dma_wait3A_13[%dma_wait3A_14] : memref<1000000xf32, #tpu.memory_space<hbm>> -> memref<10240xf32, #tpu.memory_space<hbm>>
    tpu.wait_dma2 semaphore(%arg7 : memref<!tpu.dma_semaphore, #tpu.memory_space<semaphore_mem>>) src(%dma_wait3A_15 : memref<10240xf32, #tpu.memory_space<hbm>>) dst(%arg6 : memref<10240xf32, #tpu.memory_space<vmem>>)
    %mul3A_16 = arith.constant 512 : i32
    %mul3A_17 = arith.muli %add3A, %mul3A_16 : i32
    %dma_start3A = arith.constant 0 : i32
    %dma_start3A_18 = arith.constant 0 : i32
    %dma_start3A_19 = tpu.memref_slice %arg6[%dma_start3A_18] : memref<10240xf32, #tpu.memory_space<vmem>> -> memref<512xf32, #tpu.memory_space<vmem>>
    %dma_start3A_20 = tpu.memref_slice %arg4[%dma_start3A, %mul3A_17] : memref<20x16384xf32, #tpu.memory_space<hbm>> -> memref<1x512xf32, #tpu.memory_space<hbm>>
    %dma_start3A_21 = tpu.memref_squeeze %dma_start3A_20 : memref<1x512xf32, #tpu.memory_space<hbm>> -> memref<512xf32, #tpu.memory_space<hbm>>
    %dma_start3A_22 = tpu.memref_slice %arg4[%dma_start3A, %mul3A_17] : memref<20x16384xf32, #tpu.memory_space<hbm>> -> memref<1x512xf32, #tpu.memory_space<hbm>>
    %dma_start3A_23 = tpu.memref_squeeze %dma_start3A_22 : memref<1x512xf32, #tpu.memory_space<hbm>> -> memref<512xf32, #tpu.memory_space<hbm>>
    %dma_start3A_24 = arith.constant 0 : i32
    %dma_start3A_25 = tpu.memref_slice %arg6[%dma_start3A_24] : memref<10240xf32, #tpu.memory_space<vmem>> -> memref<512xf32, #tpu.memory_space<vmem>>
    tpu.enqueue_dma source(%dma_start3A_25 : memref<512xf32, #tpu.memory_space<vmem>>) target(%dma_start3A_23 : memref<512xf32, #tpu.memory_space<hbm>>) target_semaphore(%arg7 : memref<!tpu.dma_semaphore, #tpu.memory_space<semaphore_mem>>)
    %mul3A_26 = arith.constant 512 : i32
    %mul3A_27 = arith.muli %add3A, %mul3A_26 : i32
    %dma_start3A_28 = arith.constant 1 : i32
    %dma_start3A_29 = arith.constant 512 : i32
    %dma_start3A_30 = tpu.memref_slice %arg6[%dma_start3A_29] : memref<10240xf32, #tpu.memory_space<vmem>> -> memref<512xf32, #tpu.memory_space<vmem>>
    %dma_start3A_31 = tpu.memref_slice %arg4[%dma_start3A_28, %mul3A_27] : memref<20x16384xf32, #tpu.memory_space<hbm>> -> memref<1x512xf32, #tpu.memory_space<hbm>>
    %dma_start3A_32 = tpu.memref_squeeze %dma_start3A_31 : memref<1x512xf32, #tpu.memory_space<hbm>> -> memref<512xf32, #tpu.memory_space<hbm>>
    %dma_start3A_33 = tpu.memref_slice %arg4[%dma_start3A_28, %mul3A_27] : memref<20x16384xf32, #tpu.memory_space<hbm>> -> memref<1x512xf32, #tpu.memory_space<hbm>>
    %dma_start3A_34 = tpu.memref_squeeze %dma_start3A_33 : memref<1x512xf32, #tpu.memory_space<hbm>> -> memref<512xf32, #tpu.memory_space<hbm>>
    %dma_start3A_35 = arith.constant 512 : i32
    %dma_start3A_36 = tpu.memref_slice %arg6[%dma_start3A_35] : memref<10240xf32, #tpu.memory_space<vmem>> -> memref<512xf32, #tpu.memory_space<vmem>>
    tpu.enqueue_dma source(%dma_start3A_36 : memref<512xf32, #tpu.memory_space<vmem>>) target(%dma_start3A_34 : memref<512xf32, #tpu.memory_space<hbm>>) target_semaphore(%arg7 : memref<!tpu.dma_semaphore, #tpu.memory_space<semaphore_mem>>)
    %mul3A_37 = arith.constant 512 : i32
    %mul3A_38 = arith.muli %add3A, %mul3A_37 : i32
    %dma_start3A_39 = arith.constant 2 : i32
    %dma_start3A_40 = arith.constant 1024 : i32
    %dma_start3A_41 = tpu.memref_slice %arg6[%dma_start3A_40] : memref<10240xf32, #tpu.memory_space<vmem>> -> memref<512xf32, #tpu.memory_space<vmem>>
    %dma_start3A_42 = tpu.memref_slice %arg4[%dma_start3A_39, %mul3A_38] : memref<20x16384xf32, #tpu.memory_space<hbm>> -> memref<1x512xf32, #tpu.memory_space<hbm>>
    %dma_start3A_43 = tpu.memref_squeeze %dma_start3A_42 : memref<1x512xf32, #tpu.memory_space<hbm>> -> memref<512xf32, #tpu.memory_space<hbm>>
    %dma_start3A_44 = tpu.memref_slice %arg4[%dma_start3A_39, %mul3A_38] : memref<20x16384xf32, #tpu.memory_space<hbm>> -> memref<1x512xf32, #tpu.memory_space<hbm>>
    %dma_start3A_45 = tpu.memref_squeeze %dma_start3A_44 : memref<1x512xf32, #tpu.memory_space<hbm>> -> memref<512xf32, #tpu.memory_space<hbm>>
    %dma_start3A_46 = arith.constant 1024 : i32
    %dma_start3A_47 = tpu.memref_slice %arg6[%dma_start3A_46] : memref<10240xf32, #tpu.memory_space<vmem>> -> memref<512xf32, #tpu.memory_space<vmem>>
    tpu.enqueue_dma source(%dma_start3A_47 : memref<512xf32, #tpu.memory_space<vmem>>) target(%dma_start3A_45 : memref<512xf32, #tpu.memory_space<hbm>>) target_semaphore(%arg7 : memref<!tpu.dma_semaphore, #tpu.memory_space<semaphore_mem>>)
    %mul3A_48 = arith.constant 512 : i32
    %mul3A_49 = arith.muli %add3A, %mul3A_48 : i32
    %dma_start3A_50 = arith.constant 3 : i32
    %dma_start3A_51 = arith.constant 1536 : i32
    %dma_start3A_52 = tpu.memref_slice %arg6[%dma_start3A_51] : memref<10240xf32, #tpu.memory_space<vmem>> -> memref<512xf32, #tpu.memory_space<vmem>>
    %dma_start3A_53 = tpu.memref_slice %arg4[%dma_start3A_50, %mul3A_49] : memref<20x16384xf32, #tpu.memory_space<hbm>> -> memref<1x512xf32, #tpu.memory_space<hbm>>
    %dma_start3A_54 = tpu.memref_squeeze %dma_start3A_53 : memref<1x512xf32, #tpu.memory_space<hbm>> -> memref<512xf32, #tpu.memory_space<hbm>>
    %dma_start3A_55 = tpu.memref_slice %arg4[%dma_start3A_50, %mul3A_49] : memref<20x16384xf32, #tpu.memory_space<hbm>> -> memref<1x512xf32, #tpu.memory_space<hbm>>
    %dma_start3A_56 = tpu.memref_squeeze %dma_start3A_55 : memref<1x512xf32, #tpu.memory_space<hbm>> -> memref<512xf32, #tpu.memory_space<hbm>>
    %dma_start3A_57 = arith.constant 1536 : i32
    %dma_start3A_58 = tpu.memref_slice %arg6[%dma_start3A_57] : memref<10240xf32, #tpu.memory_space<vmem>> -> memref<512xf32, #tpu.memory_space<vmem>>
    tpu.enqueue_dma source(%dma_start3A_58 : memref<512xf32, #tpu.memory_space<vmem>>) target(%dma_start3A_56 : memref<512xf32, #tpu.memory_space<hbm>>) target_semaphore(%arg7 : memref<!tpu.dma_semaphore, #tpu.memory_space<semaphore_mem>>)
    %mul3A_59 = arith.constant 512 : i32
    %mul3A_60 = arith.muli %add3A, %mul3A_59 : i32
    %dma_start3A_61 = arith.constant 4 : i32
    %dma_start3A_62 = arith.constant 2048 : i32
    %dma_start3A_63 = tpu.memref_slice %arg6[%dma_start3A_62] : memref<10240xf32, #tpu.memory_space<vmem>> -> memref<512xf32, #tpu.memory_space<vmem>>
    %dma_start3A_64 = tpu.memref_slice %arg4[%dma_start3A_61, %mul3A_60] : memref<20x16384xf32, #tpu.memory_space<hbm>> -> memref<1x512xf32, #tpu.memory_space<hbm>>
    %dma_start3A_65 = tpu.memref_squeeze %dma_start3A_64 : memref<1x512xf32, #tpu.memory_space<hbm>> -> memref<512xf32, #tpu.memory_space<hbm>>
    %dma_start3A_66 = tpu.memref_slice %arg4[%dma_start3A_61, %mul3A_60] : memref<20x16384xf32, #tpu.memory_space<hbm>> -> memref<1x512xf32, #tpu.memory_space<hbm>>
    %dma_start3A_67 = tpu.memref_squeeze %dma_start3A_66 : memref<1x512xf32, #tpu.memory_space<hbm>> -> memref<512xf32, #tpu.memory_space<hbm>>
    %dma_start3A_68 = arith.constant 2048 : i32
    %dma_start3A_69 = tpu.memref_slice %arg6[%dma_start3A_68] : memref<10240xf32, #tpu.memory_space<vmem>> -> memref<512xf32, #tpu.memory_space<vmem>>
    tpu.enqueue_dma source(%dma_start3A_69 : memref<512xf32, #tpu.memory_space<vmem>>) target(%dma_start3A_67 : memref<512xf32, #tpu.memory_space<hbm>>) target_semaphore(%arg7 : memref<!tpu.dma_semaphore, #tpu.memory_space<semaphore_mem>>)
    %mul3A_70 = arith.constant 512 : i32
    %mul3A_71 = arith.muli %add3A, %mul3A_70 : i32
    %dma_start3A_72 = arith.constant 5 : i32
    %dma_start3A_73 = arith.constant 2560 : i32
    %dma_start3A_74 = tpu.memref_slice %arg6[%dma_start3A_73] : memref<10240xf32, #tpu.memory_space<vmem>> -> memref<512xf32, #tpu.memory_space<vmem>>
    %dma_start3A_75 = tpu.memref_slice %arg4[%dma_start3A_72, %mul3A_71] : memref<20x16384xf32, #tpu.memory_space<hbm>> -> memref<1x512xf32, #tpu.memory_space<hbm>>
    %dma_start3A_76 = tpu.memref_squeeze %dma_start3A_75 : memref<1x512xf32, #tpu.memory_space<hbm>> -> memref<512xf32, #tpu.memory_space<hbm>>
    %dma_start3A_77 = tpu.memref_slice %arg4[%dma_start3A_72, %mul3A_71] : memref<20x16384xf32, #tpu.memory_space<hbm>> -> memref<1x512xf32, #tpu.memory_space<hbm>>
    %dma_start3A_78 = tpu.memref_squeeze %dma_start3A_77 : memref<1x512xf32, #tpu.memory_space<hbm>> -> memref<512xf32, #tpu.memory_space<hbm>>
    %dma_start3A_79 = arith.constant 2560 : i32
    %dma_start3A_80 = tpu.memref_slice %arg6[%dma_start3A_79] : memref<10240xf32, #tpu.memory_space<vmem>> -> memref<512xf32, #tpu.memory_space<vmem>>
    tpu.enqueue_dma source(%dma_start3A_80 : memref<512xf32, #tpu.memory_space<vmem>>) target(%dma_start3A_78 : memref<512xf32, #tpu.memory_space<hbm>>) target_semaphore(%arg7 : memref<!tpu.dma_semaphore, #tpu.memory_space<semaphore_mem>>)
    %mul3A_81 = arith.constant 512 : i32
    %mul3A_82 = arith.muli %add3A, %mul3A_81 : i32
    %dma_start3A_83 = arith.constant 6 : i32
    %dma_start3A_84 = arith.constant 3072 : i32
    %dma_start3A_85 = tpu.memref_slice %arg6[%dma_start3A_84] : memref<10240xf32, #tpu.memory_space<vmem>> -> memref<512xf32, #tpu.memory_space<vmem>>
    %dma_start3A_86 = tpu.memref_slice %arg4[%dma_start3A_83, %mul3A_82] : memref<20x16384xf32, #tpu.memory_space<hbm>> -> memref<1x512xf32, #tpu.memory_space<hbm>>
    %dma_start3A_87 = tpu.memref_squeeze %dma_start3A_86 : memref<1x512xf32, #tpu.memory_space<hbm>> -> memref<512xf32, #tpu.memory_space<hbm>>
    %dma_start3A_88 = tpu.memref_slice %arg4[%dma_start3A_83, %mul3A_82] : memref<20x16384xf32, #tpu.memory_space<hbm>> -> memref<1x512xf32, #tpu.memory_space<hbm>>
    %dma_start3A_89 = tpu.memref_squeeze %dma_start3A_88 : memref<1x512xf32, #tpu.memory_space<hbm>> -> memref<512xf32, #tpu.memory_space<hbm>>
    %dma_start3A_90 = arith.constant 3072 : i32
    %dma_start3A_91 = tpu.memref_slice %arg6[%dma_start3A_90] : memref<10240xf32, #tpu.memory_space<vmem>> -> memref<512xf32, #tpu.memory_space<vmem>>
    tpu.enqueue_dma source(%dma_start3A_91 : memref<512xf32, #tpu.memory_space<vmem>>) target(%dma_start3A_89 : memref<512xf32, #tpu.memory_space<hbm>>) target_semaphore(%arg7 : memref<!tpu.dma_semaphore, #tpu.memory_space<semaphore_mem>>)
    %mul3A_92 = arith.constant 512 : i32
    %mul3A_93 = arith.muli %add3A, %mul3A_92 : i32
    %dma_start3A_94 = arith.constant 7 : i32
    %dma_start3A_95 = arith.constant 3584 : i32
    %dma_start3A_96 = tpu.memref_slice %arg6[%dma_start3A_95] : memref<10240xf32, #tpu.memory_space<vmem>> -> memref<512xf32, #tpu.memory_space<vmem>>
    %dma_start3A_97 = tpu.memref_slice %arg4[%dma_start3A_94, %mul3A_93] : memref<20x16384xf32, #tpu.memory_space<hbm>> -> memref<1x512xf32, #tpu.memory_space<hbm>>
    %dma_start3A_98 = tpu.memref_squeeze %dma_start3A_97 : memref<1x512xf32, #tpu.memory_space<hbm>> -> memref<512xf32, #tpu.memory_space<hbm>>
    %dma_start3A_99 = tpu.memref_slice %arg4[%dma_start3A_94, %mul3A_93] : memref<20x16384xf32, #tpu.memory_space<hbm>> -> memref<1x512xf32, #tpu.memory_space<hbm>>
    %dma_start3A_100 = tpu.memref_squeeze %dma_start3A_99 : memref<1x512xf32, #tpu.memory_space<hbm>> -> memref<512xf32, #tpu.memory_space<hbm>>
    %dma_start3A_101 = arith.constant 3584 : i32
    %dma_start3A_102 = tpu.memref_slice %arg6[%dma_start3A_101] : memref<10240xf32, #tpu.memory_space<vmem>> -> memref<512xf32, #tpu.memory_space<vmem>>
    tpu.enqueue_dma source(%dma_start3A_102 : memref<512xf32, #tpu.memory_space<vmem>>) target(%dma_start3A_100 : memref<512xf32, #tpu.memory_space<hbm>>) target_semaphore(%arg7 : memref<!tpu.dma_semaphore, #tpu.memory_space<semaphore_mem>>)
    %mul3A_103 = arith.constant 512 : i32
    %mul3A_104 = arith.muli %add3A, %mul3A_103 : i32
    %dma_start3A_105 = arith.constant 8 : i32
    %dma_start3A_106 = arith.constant 4096 : i32
    %dma_start3A_107 = tpu.memref_slice %arg6[%dma_start3A_106] : memref<10240xf32, #tpu.memory_space<vmem>> -> memref<512xf32, #tpu.memory_space<vmem>>
    %dma_start3A_108 = tpu.memref_slice %arg4[%dma_start3A_105, %mul3A_104] : memref<20x16384xf32, #tpu.memory_space<hbm>> -> memref<1x512xf32, #tpu.memory_space<hbm>>
    %dma_start3A_109 = tpu.memref_squeeze %dma_start3A_108 : memref<1x512xf32, #tpu.memory_space<hbm>> -> memref<512xf32, #tpu.memory_space<hbm>>
    %dma_start3A_110 = tpu.memref_slice %arg4[%dma_start3A_105, %mul3A_104] : memref<20x16384xf32, #tpu.memory_space<hbm>> -> memref<1x512xf32, #tpu.memory_space<hbm>>
    %dma_start3A_111 = tpu.memref_squeeze %dma_start3A_110 : memref<1x512xf32, #tpu.memory_space<hbm>> -> memref<512xf32, #tpu.memory_space<hbm>>
    %dma_start3A_112 = arith.constant 4096 : i32
    %dma_start3A_113 = tpu.memref_slice %arg6[%dma_start3A_112] : memref<10240xf32, #tpu.memory_space<vmem>> -> memref<512xf32, #tpu.memory_space<vmem>>
    tpu.enqueue_dma source(%dma_start3A_113 : memref<512xf32, #tpu.memory_space<vmem>>) target(%dma_start3A_111 : memref<512xf32, #tpu.memory_space<hbm>>) target_semaphore(%arg7 : memref<!tpu.dma_semaphore, #tpu.memory_space<semaphore_mem>>)
    %mul3A_114 = arith.constant 512 : i32
    %mul3A_115 = arith.muli %add3A, %mul3A_114 : i32
    %dma_start3A_116 = arith.constant 9 : i32
    %dma_start3A_117 = arith.constant 4608 : i32
    %dma_start3A_118 = tpu.memref_slice %arg6[%dma_start3A_117] : memref<10240xf32, #tpu.memory_space<vmem>> -> memref<512xf32, #tpu.memory_space<vmem>>
    %dma_start3A_119 = tpu.memref_slice %arg4[%dma_start3A_116, %mul3A_115] : memref<20x16384xf32, #tpu.memory_space<hbm>> -> memref<1x512xf32, #tpu.memory_space<hbm>>
    %dma_start3A_120 = tpu.memref_squeeze %dma_start3A_119 : memref<1x512xf32, #tpu.memory_space<hbm>> -> memref<512xf32, #tpu.memory_space<hbm>>
    %dma_start3A_121 = tpu.memref_slice %arg4[%dma_start3A_116, %mul3A_115] : memref<20x16384xf32, #tpu.memory_space<hbm>> -> memref<1x512xf32, #tpu.memory_space<hbm>>
    %dma_start3A_122 = tpu.memref_squeeze %dma_start3A_121 : memref<1x512xf32, #tpu.memory_space<hbm>> -> memref<512xf32, #tpu.memory_space<hbm>>
    %dma_start3A_123 = arith.constant 4608 : i32
    %dma_start3A_124 = tpu.memref_slice %arg6[%dma_start3A_123] : memref<10240xf32, #tpu.memory_space<vmem>> -> memref<512xf32, #tpu.memory_space<vmem>>
    tpu.enqueue_dma source(%dma_start3A_124 : memref<512xf32, #tpu.memory_space<vmem>>) target(%dma_start3A_122 : memref<512xf32, #tpu.memory_space<hbm>>) target_semaphore(%arg7 : memref<!tpu.dma_semaphore, #tpu.memory_space<semaphore_mem>>)
    %mul3A_125 = arith.constant 512 : i32
    %mul3A_126 = arith.muli %add3A, %mul3A_125 : i32
    %dma_start3A_127 = arith.constant 10 : i32
    %dma_start3A_128 = arith.constant 5120 : i32
    %dma_start3A_129 = tpu.memref_slice %arg6[%dma_start3A_128] : memref<10240xf32, #tpu.memory_space<vmem>> -> memref<512xf32, #tpu.memory_space<vmem>>
    %dma_start3A_130 = tpu.memref_slice %arg4[%dma_start3A_127, %mul3A_126] : memref<20x16384xf32, #tpu.memory_space<hbm>> -> memref<1x512xf32, #tpu.memory_space<hbm>>
    %dma_start3A_131 = tpu.memref_squeeze %dma_start3A_130 : memref<1x512xf32, #tpu.memory_space<hbm>> -> memref<512xf32, #tpu.memory_space<hbm>>
    %dma_start3A_132 = tpu.memref_slice %arg4[%dma_start3A_127, %mul3A_126] : memref<20x16384xf32, #tpu.memory_space<hbm>> -> memref<1x512xf32, #tpu.memory_space<hbm>>
    %dma_start3A_133 = tpu.memref_squeeze %dma_start3A_132 : memref<1x512xf32, #tpu.memory_space<hbm>> -> memref<512xf32, #tpu.memory_space<hbm>>
    %dma_start3A_134 = arith.constant 5120 : i32
    %dma_start3A_135 = tpu.memref_slice %arg6[%dma_start3A_134] : memref<10240xf32, #tpu.memory_space<vmem>> -> memref<512xf32, #tpu.memory_space<vmem>>
    tpu.enqueue_dma source(%dma_start3A_135 : memref<512xf32, #tpu.memory_space<vmem>>) target(%dma_start3A_133 : memref<512xf32, #tpu.memory_space<hbm>>) target_semaphore(%arg7 : memref<!tpu.dma_semaphore, #tpu.memory_space<semaphore_mem>>)
    %mul3A_136 = arith.constant 512 : i32
    %mul3A_137 = arith.muli %add3A, %mul3A_136 : i32
    %dma_start3A_138 = arith.constant 11 : i32
    %dma_start3A_139 = arith.constant 5632 : i32
    %dma_start3A_140 = tpu.memref_slice %arg6[%dma_start3A_139] : memref<10240xf32, #tpu.memory_space<vmem>> -> memref<512xf32, #tpu.memory_space<vmem>>
    %dma_start3A_141 = tpu.memref_slice %arg4[%dma_start3A_138, %mul3A_137] : memref<20x16384xf32, #tpu.memory_space<hbm>> -> memref<1x512xf32, #tpu.memory_space<hbm>>
    %dma_start3A_142 = tpu.memref_squeeze %dma_start3A_141 : memref<1x512xf32, #tpu.memory_space<hbm>> -> memref<512xf32, #tpu.memory_space<hbm>>
    %dma_start3A_143 = tpu.memref_slice %arg4[%dma_start3A_138, %mul3A_137] : memref<20x16384xf32, #tpu.memory_space<hbm>> -> memref<1x512xf32, #tpu.memory_space<hbm>>
    %dma_start3A_144 = tpu.memref_squeeze %dma_start3A_143 : memref<1x512xf32, #tpu.memory_space<hbm>> -> memref<512xf32, #tpu.memory_space<hbm>>
    %dma_start3A_145 = arith.constant 5632 : i32
    %dma_start3A_146 = tpu.memref_slice %arg6[%dma_start3A_145] : memref<10240xf32, #tpu.memory_space<vmem>> -> memref<512xf32, #tpu.memory_space<vmem>>
    tpu.enqueue_dma source(%dma_start3A_146 : memref<512xf32, #tpu.memory_space<vmem>>) target(%dma_start3A_144 : memref<512xf32, #tpu.memory_space<hbm>>) target_semaphore(%arg7 : memref<!tpu.dma_semaphore, #tpu.memory_space<semaphore_mem>>)
    %mul3A_147 = arith.constant 512 : i32
    %mul3A_148 = arith.muli %add3A, %mul3A_147 : i32
    %dma_start3A_149 = arith.constant 12 : i32
    %dma_start3A_150 = arith.constant 6144 : i32
    %dma_start3A_151 = tpu.memref_slice %arg6[%dma_start3A_150] : memref<10240xf32, #tpu.memory_space<vmem>> -> memref<512xf32, #tpu.memory_space<vmem>>
    %dma_start3A_152 = tpu.memref_slice %arg4[%dma_start3A_149, %mul3A_148] : memref<20x16384xf32, #tpu.memory_space<hbm>> -> memref<1x512xf32, #tpu.memory_space<hbm>>
    %dma_start3A_153 = tpu.memref_squeeze %dma_start3A_152 : memref<1x512xf32, #tpu.memory_space<hbm>> -> memref<512xf32, #tpu.memory_space<hbm>>
    %dma_start3A_154 = tpu.memref_slice %arg4[%dma_start3A_149, %mul3A_148] : memref<20x16384xf32, #tpu.memory_space<hbm>> -> memref<1x512xf32, #tpu.memory_space<hbm>>
    %dma_start3A_155 = tpu.memref_squeeze %dma_start3A_154 : memref<1x512xf32, #tpu.memory_space<hbm>> -> memref<512xf32, #tpu.memory_space<hbm>>
    %dma_start3A_156 = arith.constant 6144 : i32
    %dma_start3A_157 = tpu.memref_slice %arg6[%dma_start3A_156] : memref<10240xf32, #tpu.memory_space<vmem>> -> memref<512xf32, #tpu.memory_space<vmem>>
    tpu.enqueue_dma source(%dma_start3A_157 : memref<512xf32, #tpu.memory_space<vmem>>) target(%dma_start3A_155 : memref<512xf32, #tpu.memory_space<hbm>>) target_semaphore(%arg7 : memref<!tpu.dma_semaphore, #tpu.memory_space<semaphore_mem>>)
    %mul3A_158 = arith.constant 512 : i32
    %mul3A_159 = arith.muli %add3A, %mul3A_158 : i32
    %dma_start3A_160 = arith.constant 13 : i32
    %dma_start3A_161 = arith.constant 6656 : i32
    %dma_start3A_162 = tpu.memref_slice %arg6[%dma_start3A_161] : memref<10240xf32, #tpu.memory_space<vmem>> -> memref<512xf32, #tpu.memory_space<vmem>>
    %dma_start3A_163 = tpu.memref_slice %arg4[%dma_start3A_160, %mul3A_159] : memref<20x16384xf32, #tpu.memory_space<hbm>> -> memref<1x512xf32, #tpu.memory_space<hbm>>
    %dma_start3A_164 = tpu.memref_squeeze %dma_start3A_163 : memref<1x512xf32, #tpu.memory_space<hbm>> -> memref<512xf32, #tpu.memory_space<hbm>>
    %dma_start3A_165 = tpu.memref_slice %arg4[%dma_start3A_160, %mul3A_159] : memref<20x16384xf32, #tpu.memory_space<hbm>> -> memref<1x512xf32, #tpu.memory_space<hbm>>
    %dma_start3A_166 = tpu.memref_squeeze %dma_start3A_165 : memref<1x512xf32, #tpu.memory_space<hbm>> -> memref<512xf32, #tpu.memory_space<hbm>>
    %dma_start3A_167 = arith.constant 6656 : i32
    %dma_start3A_168 = tpu.memref_slice %arg6[%dma_start3A_167] : memref<10240xf32, #tpu.memory_space<vmem>> -> memref<512xf32, #tpu.memory_space<vmem>>
    tpu.enqueue_dma source(%dma_start3A_168 : memref<512xf32, #tpu.memory_space<vmem>>) target(%dma_start3A_166 : memref<512xf32, #tpu.memory_space<hbm>>) target_semaphore(%arg7 : memref<!tpu.dma_semaphore, #tpu.memory_space<semaphore_mem>>)
    %mul3A_169 = arith.constant 512 : i32
    %mul3A_170 = arith.muli %add3A, %mul3A_169 : i32
    %dma_start3A_171 = arith.constant 14 : i32
    %dma_start3A_172 = arith.constant 7168 : i32
    %dma_start3A_173 = tpu.memref_slice %arg6[%dma_start3A_172] : memref<10240xf32, #tpu.memory_space<vmem>> -> memref<512xf32, #tpu.memory_space<vmem>>
    %dma_start3A_174 = tpu.memref_slice %arg4[%dma_start3A_171, %mul3A_170] : memref<20x16384xf32, #tpu.memory_space<hbm>> -> memref<1x512xf32, #tpu.memory_space<hbm>>
    %dma_start3A_175 = tpu.memref_squeeze %dma_start3A_174 : memref<1x512xf32, #tpu.memory_space<hbm>> -> memref<512xf32, #tpu.memory_space<hbm>>
    %dma_start3A_176 = tpu.memref_slice %arg4[%dma_start3A_171, %mul3A_170] : memref<20x16384xf32, #tpu.memory_space<hbm>> -> memref<1x512xf32, #tpu.memory_space<hbm>>
    %dma_start3A_177 = tpu.memref_squeeze %dma_start3A_176 : memref<1x512xf32, #tpu.memory_space<hbm>> -> memref<512xf32, #tpu.memory_space<hbm>>
    %dma_start3A_178 = arith.constant 7168 : i32
    %dma_start3A_179 = tpu.memref_slice %arg6[%dma_start3A_178] : memref<10240xf32, #tpu.memory_space<vmem>> -> memref<512xf32, #tpu.memory_space<vmem>>
    tpu.enqueue_dma source(%dma_start3A_179 : memref<512xf32, #tpu.memory_space<vmem>>) target(%dma_start3A_177 : memref<512xf32, #tpu.memory_space<hbm>>) target_semaphore(%arg7 : memref<!tpu.dma_semaphore, #tpu.memory_space<semaphore_mem>>)
    %mul3A_180 = arith.constant 512 : i32
    %mul3A_181 = arith.muli %add3A, %mul3A_180 : i32
    %dma_start3A_182 = arith.constant 15 : i32
    %dma_start3A_183 = arith.constant 7680 : i32
    %dma_start3A_184 = tpu.memref_slice %arg6[%dma_start3A_183] : memref<10240xf32, #tpu.memory_space<vmem>> -> memref<512xf32, #tpu.memory_space<vmem>>
    %dma_start3A_185 = tpu.memref_slice %arg4[%dma_start3A_182, %mul3A_181] : memref<20x16384xf32, #tpu.memory_space<hbm>> -> memref<1x512xf32, #tpu.memory_space<hbm>>
    %dma_start3A_186 = tpu.memref_squeeze %dma_start3A_185 : memref<1x512xf32, #tpu.memory_space<hbm>> -> memref<512xf32, #tpu.memory_space<hbm>>
    %dma_start3A_187 = tpu.memref_slice %arg4[%dma_start3A_182, %mul3A_181] : memref<20x16384xf32, #tpu.memory_space<hbm>> -> memref<1x512xf32, #tpu.memory_space<hbm>>
    %dma_start3A_188 = tpu.memref_squeeze %dma_start3A_187 : memref<1x512xf32, #tpu.memory_space<hbm>> -> memref<512xf32, #tpu.memory_space<hbm>>
    %dma_start3A_189 = arith.constant 7680 : i32
    %dma_start3A_190 = tpu.memref_slice %arg6[%dma_start3A_189] : memref<10240xf32, #tpu.memory_space<vmem>> -> memref<512xf32, #tpu.memory_space<vmem>>
    tpu.enqueue_dma source(%dma_start3A_190 : memref<512xf32, #tpu.memory_space<vmem>>) target(%dma_start3A_188 : memref<512xf32, #tpu.memory_space<hbm>>) target_semaphore(%arg7 : memref<!tpu.dma_semaphore, #tpu.memory_space<semaphore_mem>>)
    %mul3A_191 = arith.constant 512 : i32
    %mul3A_192 = arith.muli %add3A, %mul3A_191 : i32
    %dma_start3A_193 = arith.constant 16 : i32
    %dma_start3A_194 = arith.constant 8192 : i32
    %dma_start3A_195 = tpu.memref_slice %arg6[%dma_start3A_194] : memref<10240xf32, #tpu.memory_space<vmem>> -> memref<512xf32, #tpu.memory_space<vmem>>
    %dma_start3A_196 = tpu.memref_slice %arg4[%dma_start3A_193, %mul3A_192] : memref<20x16384xf32, #tpu.memory_space<hbm>> -> memref<1x512xf32, #tpu.memory_space<hbm>>
    %dma_start3A_197 = tpu.memref_squeeze %dma_start3A_196 : memref<1x512xf32, #tpu.memory_space<hbm>> -> memref<512xf32, #tpu.memory_space<hbm>>
    %dma_start3A_198 = tpu.memref_slice %arg4[%dma_start3A_193, %mul3A_192] : memref<20x16384xf32, #tpu.memory_space<hbm>> -> memref<1x512xf32, #tpu.memory_space<hbm>>
    %dma_start3A_199 = tpu.memref_squeeze %dma_start3A_198 : memref<1x512xf32, #tpu.memory_space<hbm>> -> memref<512xf32, #tpu.memory_space<hbm>>
    %dma_start3A_200 = arith.constant 8192 : i32
    %dma_start3A_201 = tpu.memref_slice %arg6[%dma_start3A_200] : memref<10240xf32, #tpu.memory_space<vmem>> -> memref<512xf32, #tpu.memory_space<vmem>>
    tpu.enqueue_dma source(%dma_start3A_201 : memref<512xf32, #tpu.memory_space<vmem>>) target(%dma_start3A_199 : memref<512xf32, #tpu.memory_space<hbm>>) target_semaphore(%arg7 : memref<!tpu.dma_semaphore, #tpu.memory_space<semaphore_mem>>)
    %mul3A_202 = arith.constant 512 : i32
    %mul3A_203 = arith.muli %add3A, %mul3A_202 : i32
    %dma_start3A_204 = arith.constant 17 : i32
    %dma_start3A_205 = arith.constant 8704 : i32
    %dma_start3A_206 = tpu.memref_slice %arg6[%dma_start3A_205] : memref<10240xf32, #tpu.memory_space<vmem>> -> memref<512xf32, #tpu.memory_space<vmem>>
    %dma_start3A_207 = tpu.memref_slice %arg4[%dma_start3A_204, %mul3A_203] : memref<20x16384xf32, #tpu.memory_space<hbm>> -> memref<1x512xf32, #tpu.memory_space<hbm>>
    %dma_start3A_208 = tpu.memref_squeeze %dma_start3A_207 : memref<1x512xf32, #tpu.memory_space<hbm>> -> memref<512xf32, #tpu.memory_space<hbm>>
    %dma_start3A_209 = tpu.memref_slice %arg4[%dma_start3A_204, %mul3A_203] : memref<20x16384xf32, #tpu.memory_space<hbm>> -> memref<1x512xf32, #tpu.memory_space<hbm>>
    %dma_start3A_210 = tpu.memref_squeeze %dma_start3A_209 : memref<1x512xf32, #tpu.memory_space<hbm>> -> memref<512xf32, #tpu.memory_space<hbm>>
    %dma_start3A_211 = arith.constant 8704 : i32
    %dma_start3A_212 = tpu.memref_slice %arg6[%dma_start3A_211] : memref<10240xf32, #tpu.memory_space<vmem>> -> memref<512xf32, #tpu.memory_space<vmem>>
    tpu.enqueue_dma source(%dma_start3A_212 : memref<512xf32, #tpu.memory_space<vmem>>) target(%dma_start3A_210 : memref<512xf32, #tpu.memory_space<hbm>>) target_semaphore(%arg7 : memref<!tpu.dma_semaphore, #tpu.memory_space<semaphore_mem>>)
    %mul3A_213 = arith.constant 512 : i32
    %mul3A_214 = arith.muli %add3A, %mul3A_213 : i32
    %dma_start3A_215 = arith.constant 18 : i32
    %dma_start3A_216 = arith.constant 9216 : i32
    %dma_start3A_217 = tpu.memref_slice %arg6[%dma_start3A_216] : memref<10240xf32, #tpu.memory_space<vmem>> -> memref<512xf32, #tpu.memory_space<vmem>>
    %dma_start3A_218 = tpu.memref_slice %arg4[%dma_start3A_215, %mul3A_214] : memref<20x16384xf32, #tpu.memory_space<hbm>> -> memref<1x512xf32, #tpu.memory_space<hbm>>
    %dma_start3A_219 = tpu.memref_squeeze %dma_start3A_218 : memref<1x512xf32, #tpu.memory_space<hbm>> -> memref<512xf32, #tpu.memory_space<hbm>>
    %dma_start3A_220 = tpu.memref_slice %arg4[%dma_start3A_215, %mul3A_214] : memref<20x16384xf32, #tpu.memory_space<hbm>> -> memref<1x512xf32, #tpu.memory_space<hbm>>
    %dma_start3A_221 = tpu.memref_squeeze %dma_start3A_220 : memref<1x512xf32, #tpu.memory_space<hbm>> -> memref<512xf32, #tpu.memory_space<hbm>>
    %dma_start3A_222 = arith.constant 9216 : i32
    %dma_start3A_223 = tpu.memref_slice %arg6[%dma_start3A_222] : memref<10240xf32, #tpu.memory_space<vmem>> -> memref<512xf32, #tpu.memory_space<vmem>>
    tpu.enqueue_dma source(%dma_start3A_223 : memref<512xf32, #tpu.memory_space<vmem>>) target(%dma_start3A_221 : memref<512xf32, #tpu.memory_space<hbm>>) target_semaphore(%arg7 : memref<!tpu.dma_semaphore, #tpu.memory_space<semaphore_mem>>)
    %mul3A_224 = arith.constant 512 : i32
    %mul3A_225 = arith.muli %add3A, %mul3A_224 : i32
    %dma_start3A_226 = arith.constant 19 : i32
    %dma_start3A_227 = arith.constant 9728 : i32
    %dma_start3A_228 = tpu.memref_slice %arg6[%dma_start3A_227] : memref<10240xf32, #tpu.memory_space<vmem>> -> memref<512xf32, #tpu.memory_space<vmem>>
    %dma_start3A_229 = tpu.memref_slice %arg4[%dma_start3A_226, %mul3A_225] : memref<20x16384xf32, #tpu.memory_space<hbm>> -> memref<1x512xf32, #tpu.memory_space<hbm>>
    %dma_start3A_230 = tpu.memref_squeeze %dma_start3A_229 : memref<1x512xf32, #tpu.memory_space<hbm>> -> memref<512xf32, #tpu.memory_space<hbm>>
    %dma_start3A_231 = tpu.memref_slice %arg4[%dma_start3A_226, %mul3A_225] : memref<20x16384xf32, #tpu.memory_space<hbm>> -> memref<1x512xf32, #tpu.memory_space<hbm>>
    %dma_start3A_232 = tpu.memref_squeeze %dma_start3A_231 : memref<1x512xf32, #tpu.memory_space<hbm>> -> memref<512xf32, #tpu.memory_space<hbm>>
    %dma_start3A_233 = arith.constant 9728 : i32
    %dma_start3A_234 = tpu.memref_slice %arg6[%dma_start3A_233] : memref<10240xf32, #tpu.memory_space<vmem>> -> memref<512xf32, #tpu.memory_space<vmem>>
    tpu.enqueue_dma source(%dma_start3A_234 : memref<512xf32, #tpu.memory_space<vmem>>) target(%dma_start3A_232 : memref<512xf32, #tpu.memory_space<hbm>>) target_semaphore(%arg7 : memref<!tpu.dma_semaphore, #tpu.memory_space<semaphore_mem>>)
    %dma_wait3A_235 = arith.constant 0 : i32
    %dma_wait3A_236 = arith.constant 0 : i32
    %dma_wait3A_237 = tpu.memref_slice %arg6[%dma_wait3A_236] : memref<10240xf32, #tpu.memory_space<vmem>> -> memref<512xf32, #tpu.memory_space<vmem>>
    %dma_wait3A_238 = tpu.memref_slice %arg4[%dma_wait3A_235, %mul3A_17] : memref<20x16384xf32, #tpu.memory_space<hbm>> -> memref<1x512xf32, #tpu.memory_space<hbm>>
    %dma_wait3A_239 = tpu.memref_squeeze %dma_wait3A_238 : memref<1x512xf32, #tpu.memory_space<hbm>> -> memref<512xf32, #tpu.memory_space<hbm>>
    %dma_wait3A_240 = tpu.memref_slice %arg4[%dma_wait3A_235, %mul3A_17] : memref<20x16384xf32, #tpu.memory_space<hbm>> -> memref<1x512xf32, #tpu.memory_space<hbm>>
    %dma_wait3A_241 = tpu.memref_squeeze %dma_wait3A_240 : memref<1x512xf32, #tpu.memory_space<hbm>> -> memref<512xf32, #tpu.memory_space<hbm>>
    %dma_wait3A_242 = arith.constant 0 : i32
    %dma_wait3A_243 = tpu.memref_slice %arg6[%dma_wait3A_242] : memref<10240xf32, #tpu.memory_space<vmem>> -> memref<512xf32, #tpu.memory_space<vmem>>
    tpu.wait_dma2 semaphore(%arg7 : memref<!tpu.dma_semaphore, #tpu.memory_space<semaphore_mem>>) src(%dma_wait3A_243 : memref<512xf32, #tpu.memory_space<vmem>>) dst(%dma_wait3A_241 : memref<512xf32, #tpu.memory_space<hbm>>)
    %dma_wait3A_244 = arith.constant 1 : i32
    %dma_wait3A_245 = arith.constant 512 : i32
    %dma_wait3A_246 = tpu.memref_slice %arg6[%dma_wait3A_245] : memref<10240xf32, #tpu.memory_space<vmem>> -> memref<512xf32, #tpu.memory_space<vmem>>
    %dma_wait3A_247 = tpu.memref_slice %arg4[%dma_wait3A_244, %mul3A_27] : memref<20x16384xf32, #tpu.memory_space<hbm>> -> memref<1x512xf32, #tpu.memory_space<hbm>>
    %dma_wait3A_248 = tpu.memref_squeeze %dma_wait3A_247 : memref<1x512xf32, #tpu.memory_space<hbm>> -> memref<512xf32, #tpu.memory_space<hbm>>
    %dma_wait3A_249 = tpu.memref_slice %arg4[%dma_wait3A_244, %mul3A_27] : memref<20x16384xf32, #tpu.memory_space<hbm>> -> memref<1x512xf32, #tpu.memory_space<hbm>>
    %dma_wait3A_250 = tpu.memref_squeeze %dma_wait3A_249 : memref<1x512xf32, #tpu.memory_space<hbm>> -> memref<512xf32, #tpu.memory_space<hbm>>
    %dma_wait3A_251 = arith.constant 512 : i32
    %dma_wait3A_252 = tpu.memref_slice %arg6[%dma_wait3A_251] : memref<10240xf32, #tpu.memory_space<vmem>> -> memref<512xf32, #tpu.memory_space<vmem>>
    tpu.wait_dma2 semaphore(%arg7 : memref<!tpu.dma_semaphore, #tpu.memory_space<semaphore_mem>>) src(%dma_wait3A_252 : memref<512xf32, #tpu.memory_space<vmem>>) dst(%dma_wait3A_250 : memref<512xf32, #tpu.memory_space<hbm>>)
    %dma_wait3A_253 = arith.constant 2 : i32
    %dma_wait3A_254 = arith.constant 1024 : i32
    %dma_wait3A_255 = tpu.memref_slice %arg6[%dma_wait3A_254] : memref<10240xf32, #tpu.memory_space<vmem>> -> memref<512xf32, #tpu.memory_space<vmem>>
    %dma_wait3A_256 = tpu.memref_slice %arg4[%dma_wait3A_253, %mul3A_38] : memref<20x16384xf32, #tpu.memory_space<hbm>> -> memref<1x512xf32, #tpu.memory_space<hbm>>
    %dma_wait3A_257 = tpu.memref_squeeze %dma_wait3A_256 : memref<1x512xf32, #tpu.memory_space<hbm>> -> memref<512xf32, #tpu.memory_space<hbm>>
    %dma_wait3A_258 = tpu.memref_slice %arg4[%dma_wait3A_253, %mul3A_38] : memref<20x16384xf32, #tpu.memory_space<hbm>> -> memref<1x512xf32, #tpu.memory_space<hbm>>
    %dma_wait3A_259 = tpu.memref_squeeze %dma_wait3A_258 : memref<1x512xf32, #tpu.memory_space<hbm>> -> memref<512xf32, #tpu.memory_space<hbm>>
    %dma_wait3A_260 = arith.constant 1024 : i32
    %dma_wait3A_261 = tpu.memref_slice %arg6[%dma_wait3A_260] : memref<10240xf32, #tpu.memory_space<vmem>> -> memref<512xf32, #tpu.memory_space<vmem>>
    tpu.wait_dma2 semaphore(%arg7 : memref<!tpu.dma_semaphore, #tpu.memory_space<semaphore_mem>>) src(%dma_wait3A_261 : memref<512xf32, #tpu.memory_space<vmem>>) dst(%dma_wait3A_259 : memref<512xf32, #tpu.memory_space<hbm>>)
    %dma_wait3A_262 = arith.constant 3 : i32
    %dma_wait3A_263 = arith.constant 1536 : i32
    %dma_wait3A_264 = tpu.memref_slice %arg6[%dma_wait3A_263] : memref<10240xf32, #tpu.memory_space<vmem>> -> memref<512xf32, #tpu.memory_space<vmem>>
    %dma_wait3A_265 = tpu.memref_slice %arg4[%dma_wait3A_262, %mul3A_49] : memref<20x16384xf32, #tpu.memory_space<hbm>> -> memref<1x512xf32, #tpu.memory_space<hbm>>
    %dma_wait3A_266 = tpu.memref_squeeze %dma_wait3A_265 : memref<1x512xf32, #tpu.memory_space<hbm>> -> memref<512xf32, #tpu.memory_space<hbm>>
    %dma_wait3A_267 = tpu.memref_slice %arg4[%dma_wait3A_262, %mul3A_49] : memref<20x16384xf32, #tpu.memory_space<hbm>> -> memref<1x512xf32, #tpu.memory_space<hbm>>
    %dma_wait3A_268 = tpu.memref_squeeze %dma_wait3A_267 : memref<1x512xf32, #tpu.memory_space<hbm>> -> memref<512xf32, #tpu.memory_space<hbm>>
    %dma_wait3A_269 = arith.constant 1536 : i32
    %dma_wait3A_270 = tpu.memref_slice %arg6[%dma_wait3A_269] : memref<10240xf32, #tpu.memory_space<vmem>> -> memref<512xf32, #tpu.memory_space<vmem>>
    tpu.wait_dma2 semaphore(%arg7 : memref<!tpu.dma_semaphore, #tpu.memory_space<semaphore_mem>>) src(%dma_wait3A_270 : memref<512xf32, #tpu.memory_space<vmem>>) dst(%dma_wait3A_268 : memref<512xf32, #tpu.memory_space<hbm>>)
    %dma_wait3A_271 = arith.constant 4 : i32
    %dma_wait3A_272 = arith.constant 2048 : i32
    %dma_wait3A_273 = tpu.memref_slice %arg6[%dma_wait3A_272] : memref<10240xf32, #tpu.memory_space<vmem>> -> memref<512xf32, #tpu.memory_space<vmem>>
    %dma_wait3A_274 = tpu.memref_slice %arg4[%dma_wait3A_271, %mul3A_60] : memref<20x16384xf32, #tpu.memory_space<hbm>> -> memref<1x512xf32, #tpu.memory_space<hbm>>
    %dma_wait3A_275 = tpu.memref_squeeze %dma_wait3A_274 : memref<1x512xf32, #tpu.memory_space<hbm>> -> memref<512xf32, #tpu.memory_space<hbm>>
    %dma_wait3A_276 = tpu.memref_slice %arg4[%dma_wait3A_271, %mul3A_60] : memref<20x16384xf32, #tpu.memory_space<hbm>> -> memref<1x512xf32, #tpu.memory_space<hbm>>
    %dma_wait3A_277 = tpu.memref_squeeze %dma_wait3A_276 : memref<1x512xf32, #tpu.memory_space<hbm>> -> memref<512xf32, #tpu.memory_space<hbm>>
    %dma_wait3A_278 = arith.constant 2048 : i32
    %dma_wait3A_279 = tpu.memref_slice %arg6[%dma_wait3A_278] : memref<10240xf32, #tpu.memory_space<vmem>> -> memref<512xf32, #tpu.memory_space<vmem>>
    tpu.wait_dma2 semaphore(%arg7 : memref<!tpu.dma_semaphore, #tpu.memory_space<semaphore_mem>>) src(%dma_wait3A_279 : memref<512xf32, #tpu.memory_space<vmem>>) dst(%dma_wait3A_277 : memref<512xf32, #tpu.memory_space<hbm>>)
    %dma_wait3A_280 = arith.constant 5 : i32
    %dma_wait3A_281 = arith.constant 2560 : i32
    %dma_wait3A_282 = tpu.memref_slice %arg6[%dma_wait3A_281] : memref<10240xf32, #tpu.memory_space<vmem>> -> memref<512xf32, #tpu.memory_space<vmem>>
    %dma_wait3A_283 = tpu.memref_slice %arg4[%dma_wait3A_280, %mul3A_71] : memref<20x16384xf32, #tpu.memory_space<hbm>> -> memref<1x512xf32, #tpu.memory_space<hbm>>
    %dma_wait3A_284 = tpu.memref_squeeze %dma_wait3A_283 : memref<1x512xf32, #tpu.memory_space<hbm>> -> memref<512xf32, #tpu.memory_space<hbm>>
    %dma_wait3A_285 = tpu.memref_slice %arg4[%dma_wait3A_280, %mul3A_71] : memref<20x16384xf32, #tpu.memory_space<hbm>> -> memref<1x512xf32, #tpu.memory_space<hbm>>
    %dma_wait3A_286 = tpu.memref_squeeze %dma_wait3A_285 : memref<1x512xf32, #tpu.memory_space<hbm>> -> memref<512xf32, #tpu.memory_space<hbm>>
    %dma_wait3A_287 = arith.constant 2560 : i32
    %dma_wait3A_288 = tpu.memref_slice %arg6[%dma_wait3A_287] : memref<10240xf32, #tpu.memory_space<vmem>> -> memref<512xf32, #tpu.memory_space<vmem>>
    tpu.wait_dma2 semaphore(%arg7 : memref<!tpu.dma_semaphore, #tpu.memory_space<semaphore_mem>>) src(%dma_wait3A_288 : memref<512xf32, #tpu.memory_space<vmem>>) dst(%dma_wait3A_286 : memref<512xf32, #tpu.memory_space<hbm>>)
    %dma_wait3A_289 = arith.constant 6 : i32
    %dma_wait3A_290 = arith.constant 3072 : i32
    %dma_wait3A_291 = tpu.memref_slice %arg6[%dma_wait3A_290] : memref<10240xf32, #tpu.memory_space<vmem>> -> memref<512xf32, #tpu.memory_space<vmem>>
    %dma_wait3A_292 = tpu.memref_slice %arg4[%dma_wait3A_289, %mul3A_82] : memref<20x16384xf32, #tpu.memory_space<hbm>> -> memref<1x512xf32, #tpu.memory_space<hbm>>
    %dma_wait3A_293 = tpu.memref_squeeze %dma_wait3A_292 : memref<1x512xf32, #tpu.memory_space<hbm>> -> memref<512xf32, #tpu.memory_space<hbm>>
    %dma_wait3A_294 = tpu.memref_slice %arg4[%dma_wait3A_289, %mul3A_82] : memref<20x16384xf32, #tpu.memory_space<hbm>> -> memref<1x512xf32, #tpu.memory_space<hbm>>
    %dma_wait3A_295 = tpu.memref_squeeze %dma_wait3A_294 : memref<1x512xf32, #tpu.memory_space<hbm>> -> memref<512xf32, #tpu.memory_space<hbm>>
    %dma_wait3A_296 = arith.constant 3072 : i32
    %dma_wait3A_297 = tpu.memref_slice %arg6[%dma_wait3A_296] : memref<10240xf32, #tpu.memory_space<vmem>> -> memref<512xf32, #tpu.memory_space<vmem>>
    tpu.wait_dma2 semaphore(%arg7 : memref<!tpu.dma_semaphore, #tpu.memory_space<semaphore_mem>>) src(%dma_wait3A_297 : memref<512xf32, #tpu.memory_space<vmem>>) dst(%dma_wait3A_295 : memref<512xf32, #tpu.memory_space<hbm>>)
    %dma_wait3A_298 = arith.constant 7 : i32
    %dma_wait3A_299 = arith.constant 3584 : i32
    %dma_wait3A_300 = tpu.memref_slice %arg6[%dma_wait3A_299] : memref<10240xf32, #tpu.memory_space<vmem>> -> memref<512xf32, #tpu.memory_space<vmem>>
    %dma_wait3A_301 = tpu.memref_slice %arg4[%dma_wait3A_298, %mul3A_93] : memref<20x16384xf32, #tpu.memory_space<hbm>> -> memref<1x512xf32, #tpu.memory_space<hbm>>
    %dma_wait3A_302 = tpu.memref_squeeze %dma_wait3A_301 : memref<1x512xf32, #tpu.memory_space<hbm>> -> memref<512xf32, #tpu.memory_space<hbm>>
    %dma_wait3A_303 = tpu.memref_slice %arg4[%dma_wait3A_298, %mul3A_93] : memref<20x16384xf32, #tpu.memory_space<hbm>> -> memref<1x512xf32, #tpu.memory_space<hbm>>
    %dma_wait3A_304 = tpu.memref_squeeze %dma_wait3A_303 : memref<1x512xf32, #tpu.memory_space<hbm>> -> memref<512xf32, #tpu.memory_space<hbm>>
    %dma_wait3A_305 = arith.constant 3584 : i32
    %dma_wait3A_306 = tpu.memref_slice %arg6[%dma_wait3A_305] : memref<10240xf32, #tpu.memory_space<vmem>> -> memref<512xf32, #tpu.memory_space<vmem>>
    tpu.wait_dma2 semaphore(%arg7 : memref<!tpu.dma_semaphore, #tpu.memory_space<semaphore_mem>>) src(%dma_wait3A_306 : memref<512xf32, #tpu.memory_space<vmem>>) dst(%dma_wait3A_304 : memref<512xf32, #tpu.memory_space<hbm>>)
    %dma_wait3A_307 = arith.constant 8 : i32
    %dma_wait3A_308 = arith.constant 4096 : i32
    %dma_wait3A_309 = tpu.memref_slice %arg6[%dma_wait3A_308] : memref<10240xf32, #tpu.memory_space<vmem>> -> memref<512xf32, #tpu.memory_space<vmem>>
    %dma_wait3A_310 = tpu.memref_slice %arg4[%dma_wait3A_307, %mul3A_104] : memref<20x16384xf32, #tpu.memory_space<hbm>> -> memref<1x512xf32, #tpu.memory_space<hbm>>
    %dma_wait3A_311 = tpu.memref_squeeze %dma_wait3A_310 : memref<1x512xf32, #tpu.memory_space<hbm>> -> memref<512xf32, #tpu.memory_space<hbm>>
    %dma_wait3A_312 = tpu.memref_slice %arg4[%dma_wait3A_307, %mul3A_104] : memref<20x16384xf32, #tpu.memory_space<hbm>> -> memref<1x512xf32, #tpu.memory_space<hbm>>
    %dma_wait3A_313 = tpu.memref_squeeze %dma_wait3A_312 : memref<1x512xf32, #tpu.memory_space<hbm>> -> memref<512xf32, #tpu.memory_space<hbm>>
    %dma_wait3A_314 = arith.constant 4096 : i32
    %dma_wait3A_315 = tpu.memref_slice %arg6[%dma_wait3A_314] : memref<10240xf32, #tpu.memory_space<vmem>> -> memref<512xf32, #tpu.memory_space<vmem>>
    tpu.wait_dma2 semaphore(%arg7 : memref<!tpu.dma_semaphore, #tpu.memory_space<semaphore_mem>>) src(%dma_wait3A_315 : memref<512xf32, #tpu.memory_space<vmem>>) dst(%dma_wait3A_313 : memref<512xf32, #tpu.memory_space<hbm>>)
    %dma_wait3A_316 = arith.constant 9 : i32
    %dma_wait3A_317 = arith.constant 4608 : i32
    %dma_wait3A_318 = tpu.memref_slice %arg6[%dma_wait3A_317] : memref<10240xf32, #tpu.memory_space<vmem>> -> memref<512xf32, #tpu.memory_space<vmem>>
    %dma_wait3A_319 = tpu.memref_slice %arg4[%dma_wait3A_316, %mul3A_115] : memref<20x16384xf32, #tpu.memory_space<hbm>> -> memref<1x512xf32, #tpu.memory_space<hbm>>
    %dma_wait3A_320 = tpu.memref_squeeze %dma_wait3A_319 : memref<1x512xf32, #tpu.memory_space<hbm>> -> memref<512xf32, #tpu.memory_space<hbm>>
    %dma_wait3A_321 = tpu.memref_slice %arg4[%dma_wait3A_316, %mul3A_115] : memref<20x16384xf32, #tpu.memory_space<hbm>> -> memref<1x512xf32, #tpu.memory_space<hbm>>
    %dma_wait3A_322 = tpu.memref_squeeze %dma_wait3A_321 : memref<1x512xf32, #tpu.memory_space<hbm>> -> memref<512xf32, #tpu.memory_space<hbm>>
    %dma_wait3A_323 = arith.constant 4608 : i32
    %dma_wait3A_324 = tpu.memref_slice %arg6[%dma_wait3A_323] : memref<10240xf32, #tpu.memory_space<vmem>> -> memref<512xf32, #tpu.memory_space<vmem>>
    tpu.wait_dma2 semaphore(%arg7 : memref<!tpu.dma_semaphore, #tpu.memory_space<semaphore_mem>>) src(%dma_wait3A_324 : memref<512xf32, #tpu.memory_space<vmem>>) dst(%dma_wait3A_322 : memref<512xf32, #tpu.memory_space<hbm>>)
    %dma_wait3A_325 = arith.constant 10 : i32
    %dma_wait3A_326 = arith.constant 5120 : i32
    %dma_wait3A_327 = tpu.memref_slice %arg6[%dma_wait3A_326] : memref<10240xf32, #tpu.memory_space<vmem>> -> memref<512xf32, #tpu.memory_space<vmem>>
    %dma_wait3A_328 = tpu.memref_slice %arg4[%dma_wait3A_325, %mul3A_126] : memref<20x16384xf32, #tpu.memory_space<hbm>> -> memref<1x512xf32, #tpu.memory_space<hbm>>
    %dma_wait3A_329 = tpu.memref_squeeze %dma_wait3A_328 : memref<1x512xf32, #tpu.memory_space<hbm>> -> memref<512xf32, #tpu.memory_space<hbm>>
    %dma_wait3A_330 = tpu.memref_slice %arg4[%dma_wait3A_325, %mul3A_126] : memref<20x16384xf32, #tpu.memory_space<hbm>> -> memref<1x512xf32, #tpu.memory_space<hbm>>
    %dma_wait3A_331 = tpu.memref_squeeze %dma_wait3A_330 : memref<1x512xf32, #tpu.memory_space<hbm>> -> memref<512xf32, #tpu.memory_space<hbm>>
    %dma_wait3A_332 = arith.constant 5120 : i32
    %dma_wait3A_333 = tpu.memref_slice %arg6[%dma_wait3A_332] : memref<10240xf32, #tpu.memory_space<vmem>> -> memref<512xf32, #tpu.memory_space<vmem>>
    tpu.wait_dma2 semaphore(%arg7 : memref<!tpu.dma_semaphore, #tpu.memory_space<semaphore_mem>>) src(%dma_wait3A_333 : memref<512xf32, #tpu.memory_space<vmem>>) dst(%dma_wait3A_331 : memref<512xf32, #tpu.memory_space<hbm>>)
    %dma_wait3A_334 = arith.constant 11 : i32
    %dma_wait3A_335 = arith.constant 5632 : i32
    %dma_wait3A_336 = tpu.memref_slice %arg6[%dma_wait3A_335] : memref<10240xf32, #tpu.memory_space<vmem>> -> memref<512xf32, #tpu.memory_space<vmem>>
    %dma_wait3A_337 = tpu.memref_slice %arg4[%dma_wait3A_334, %mul3A_137] : memref<20x16384xf32, #tpu.memory_space<hbm>> -> memref<1x512xf32, #tpu.memory_space<hbm>>
    %dma_wait3A_338 = tpu.memref_squeeze %dma_wait3A_337 : memref<1x512xf32, #tpu.memory_space<hbm>> -> memref<512xf32, #tpu.memory_space<hbm>>
    %dma_wait3A_339 = tpu.memref_slice %arg4[%dma_wait3A_334, %mul3A_137] : memref<20x16384xf32, #tpu.memory_space<hbm>> -> memref<1x512xf32, #tpu.memory_space<hbm>>
    %dma_wait3A_340 = tpu.memref_squeeze %dma_wait3A_339 : memref<1x512xf32, #tpu.memory_space<hbm>> -> memref<512xf32, #tpu.memory_space<hbm>>
    %dma_wait3A_341 = arith.constant 5632 : i32
    %dma_wait3A_342 = tpu.memref_slice %arg6[%dma_wait3A_341] : memref<10240xf32, #tpu.memory_space<vmem>> -> memref<512xf32, #tpu.memory_space<vmem>>
    tpu.wait_dma2 semaphore(%arg7 : memref<!tpu.dma_semaphore, #tpu.memory_space<semaphore_mem>>) src(%dma_wait3A_342 : memref<512xf32, #tpu.memory_space<vmem>>) dst(%dma_wait3A_340 : memref<512xf32, #tpu.memory_space<hbm>>)
    %dma_wait3A_343 = arith.constant 12 : i32
    %dma_wait3A_344 = arith.constant 6144 : i32
    %dma_wait3A_345 = tpu.memref_slice %arg6[%dma_wait3A_344] : memref<10240xf32, #tpu.memory_space<vmem>> -> memref<512xf32, #tpu.memory_space<vmem>>
    %dma_wait3A_346 = tpu.memref_slice %arg4[%dma_wait3A_343, %mul3A_148] : memref<20x16384xf32, #tpu.memory_space<hbm>> -> memref<1x512xf32, #tpu.memory_space<hbm>>
    %dma_wait3A_347 = tpu.memref_squeeze %dma_wait3A_346 : memref<1x512xf32, #tpu.memory_space<hbm>> -> memref<512xf32, #tpu.memory_space<hbm>>
    %dma_wait3A_348 = tpu.memref_slice %arg4[%dma_wait3A_343, %mul3A_148] : memref<20x16384xf32, #tpu.memory_space<hbm>> -> memref<1x512xf32, #tpu.memory_space<hbm>>
    %dma_wait3A_349 = tpu.memref_squeeze %dma_wait3A_348 : memref<1x512xf32, #tpu.memory_space<hbm>> -> memref<512xf32, #tpu.memory_space<hbm>>
    %dma_wait3A_350 = arith.constant 6144 : i32
    %dma_wait3A_351 = tpu.memref_slice %arg6[%dma_wait3A_350] : memref<10240xf32, #tpu.memory_space<vmem>> -> memref<512xf32, #tpu.memory_space<vmem>>
    tpu.wait_dma2 semaphore(%arg7 : memref<!tpu.dma_semaphore, #tpu.memory_space<semaphore_mem>>) src(%dma_wait3A_351 : memref<512xf32, #tpu.memory_space<vmem>>) dst(%dma_wait3A_349 : memref<512xf32, #tpu.memory_space<hbm>>)
    %dma_wait3A_352 = arith.constant 13 : i32
    %dma_wait3A_353 = arith.constant 6656 : i32
    %dma_wait3A_354 = tpu.memref_slice %arg6[%dma_wait3A_353] : memref<10240xf32, #tpu.memory_space<vmem>> -> memref<512xf32, #tpu.memory_space<vmem>>
    %dma_wait3A_355 = tpu.memref_slice %arg4[%dma_wait3A_352, %mul3A_159] : memref<20x16384xf32, #tpu.memory_space<hbm>> -> memref<1x512xf32, #tpu.memory_space<hbm>>
    %dma_wait3A_356 = tpu.memref_squeeze %dma_wait3A_355 : memref<1x512xf32, #tpu.memory_space<hbm>> -> memref<512xf32, #tpu.memory_space<hbm>>
    %dma_wait3A_357 = tpu.memref_slice %arg4[%dma_wait3A_352, %mul3A_159] : memref<20x16384xf32, #tpu.memory_space<hbm>> -> memref<1x512xf32, #tpu.memory_space<hbm>>
    %dma_wait3A_358 = tpu.memref_squeeze %dma_wait3A_357 : memref<1x512xf32, #tpu.memory_space<hbm>> -> memref<512xf32, #tpu.memory_space<hbm>>
    %dma_wait3A_359 = arith.constant 6656 : i32
    %dma_wait3A_360 = tpu.memref_slice %arg6[%dma_wait3A_359] : memref<10240xf32, #tpu.memory_space<vmem>> -> memref<512xf32, #tpu.memory_space<vmem>>
    tpu.wait_dma2 semaphore(%arg7 : memref<!tpu.dma_semaphore, #tpu.memory_space<semaphore_mem>>) src(%dma_wait3A_360 : memref<512xf32, #tpu.memory_space<vmem>>) dst(%dma_wait3A_358 : memref<512xf32, #tpu.memory_space<hbm>>)
    %dma_wait3A_361 = arith.constant 14 : i32
    %dma_wait3A_362 = arith.constant 7168 : i32
    %dma_wait3A_363 = tpu.memref_slice %arg6[%dma_wait3A_362] : memref<10240xf32, #tpu.memory_space<vmem>> -> memref<512xf32, #tpu.memory_space<vmem>>
    %dma_wait3A_364 = tpu.memref_slice %arg4[%dma_wait3A_361, %mul3A_170] : memref<20x16384xf32, #tpu.memory_space<hbm>> -> memref<1x512xf32, #tpu.memory_space<hbm>>
    %dma_wait3A_365 = tpu.memref_squeeze %dma_wait3A_364 : memref<1x512xf32, #tpu.memory_space<hbm>> -> memref<512xf32, #tpu.memory_space<hbm>>
    %dma_wait3A_366 = tpu.memref_slice %arg4[%dma_wait3A_361, %mul3A_170] : memref<20x16384xf32, #tpu.memory_space<hbm>> -> memref<1x512xf32, #tpu.memory_space<hbm>>
    %dma_wait3A_367 = tpu.memref_squeeze %dma_wait3A_366 : memref<1x512xf32, #tpu.memory_space<hbm>> -> memref<512xf32, #tpu.memory_space<hbm>>
    %dma_wait3A_368 = arith.constant 7168 : i32
    %dma_wait3A_369 = tpu.memref_slice %arg6[%dma_wait3A_368] : memref<10240xf32, #tpu.memory_space<vmem>> -> memref<512xf32, #tpu.memory_space<vmem>>
    tpu.wait_dma2 semaphore(%arg7 : memref<!tpu.dma_semaphore, #tpu.memory_space<semaphore_mem>>) src(%dma_wait3A_369 : memref<512xf32, #tpu.memory_space<vmem>>) dst(%dma_wait3A_367 : memref<512xf32, #tpu.memory_space<hbm>>)
    %dma_wait3A_370 = arith.constant 15 : i32
    %dma_wait3A_371 = arith.constant 7680 : i32
    %dma_wait3A_372 = tpu.memref_slice %arg6[%dma_wait3A_371] : memref<10240xf32, #tpu.memory_space<vmem>> -> memref<512xf32, #tpu.memory_space<vmem>>
    %dma_wait3A_373 = tpu.memref_slice %arg4[%dma_wait3A_370, %mul3A_181] : memref<20x16384xf32, #tpu.memory_space<hbm>> -> memref<1x512xf32, #tpu.memory_space<hbm>>
    %dma_wait3A_374 = tpu.memref_squeeze %dma_wait3A_373 : memref<1x512xf32, #tpu.memory_space<hbm>> -> memref<512xf32, #tpu.memory_space<hbm>>
    %dma_wait3A_375 = tpu.memref_slice %arg4[%dma_wait3A_370, %mul3A_181] : memref<20x16384xf32, #tpu.memory_space<hbm>> -> memref<1x512xf32, #tpu.memory_space<hbm>>
    %dma_wait3A_376 = tpu.memref_squeeze %dma_wait3A_375 : memref<1x512xf32, #tpu.memory_space<hbm>> -> memref<512xf32, #tpu.memory_space<hbm>>
    %dma_wait3A_377 = arith.constant 7680 : i32
    %dma_wait3A_378 = tpu.memref_slice %arg6[%dma_wait3A_377] : memref<10240xf32, #tpu.memory_space<vmem>> -> memref<512xf32, #tpu.memory_space<vmem>>
    tpu.wait_dma2 semaphore(%arg7 : memref<!tpu.dma_semaphore, #tpu.memory_space<semaphore_mem>>) src(%dma_wait3A_378 : memref<512xf32, #tpu.memory_space<vmem>>) dst(%dma_wait3A_376 : memref<512xf32, #tpu.memory_space<hbm>>)
    %dma_wait3A_379 = arith.constant 16 : i32
    %dma_wait3A_380 = arith.constant 8192 : i32
    %dma_wait3A_381 = tpu.memref_slice %arg6[%dma_wait3A_380] : memref<10240xf32, #tpu.memory_space<vmem>> -> memref<512xf32, #tpu.memory_space<vmem>>
    %dma_wait3A_382 = tpu.memref_slice %arg4[%dma_wait3A_379, %mul3A_192] : memref<20x16384xf32, #tpu.memory_space<hbm>> -> memref<1x512xf32, #tpu.memory_space<hbm>>
    %dma_wait3A_383 = tpu.memref_squeeze %dma_wait3A_382 : memref<1x512xf32, #tpu.memory_space<hbm>> -> memref<512xf32, #tpu.memory_space<hbm>>
    %dma_wait3A_384 = tpu.memref_slice %arg4[%dma_wait3A_379, %mul3A_192] : memref<20x16384xf32, #tpu.memory_space<hbm>> -> memref<1x512xf32, #tpu.memory_space<hbm>>
    %dma_wait3A_385 = tpu.memref_squeeze %dma_wait3A_384 : memref<1x512xf32, #tpu.memory_space<hbm>> -> memref<512xf32, #tpu.memory_space<hbm>>
    %dma_wait3A_386 = arith.constant 8192 : i32
    %dma_wait3A_387 = tpu.memref_slice %arg6[%dma_wait3A_386] : memref<10240xf32, #tpu.memory_space<vmem>> -> memref<512xf32, #tpu.memory_space<vmem>>
    tpu.wait_dma2 semaphore(%arg7 : memref<!tpu.dma_semaphore, #tpu.memory_space<semaphore_mem>>) src(%dma_wait3A_387 : memref<512xf32, #tpu.memory_space<vmem>>) dst(%dma_wait3A_385 : memref<512xf32, #tpu.memory_space<hbm>>)
    %dma_wait3A_388 = arith.constant 17 : i32
    %dma_wait3A_389 = arith.constant 8704 : i32
    %dma_wait3A_390 = tpu.memref_slice %arg6[%dma_wait3A_389] : memref<10240xf32, #tpu.memory_space<vmem>> -> memref<512xf32, #tpu.memory_space<vmem>>
    %dma_wait3A_391 = tpu.memref_slice %arg4[%dma_wait3A_388, %mul3A_203] : memref<20x16384xf32, #tpu.memory_space<hbm>> -> memref<1x512xf32, #tpu.memory_space<hbm>>
    %dma_wait3A_392 = tpu.memref_squeeze %dma_wait3A_391 : memref<1x512xf32, #tpu.memory_space<hbm>> -> memref<512xf32, #tpu.memory_space<hbm>>
    %dma_wait3A_393 = tpu.memref_slice %arg4[%dma_wait3A_388, %mul3A_203] : memref<20x16384xf32, #tpu.memory_space<hbm>> -> memref<1x512xf32, #tpu.memory_space<hbm>>
    %dma_wait3A_394 = tpu.memref_squeeze %dma_wait3A_393 : memref<1x512xf32, #tpu.memory_space<hbm>> -> memref<512xf32, #tpu.memory_space<hbm>>
    %dma_wait3A_395 = arith.constant 8704 : i32
    %dma_wait3A_396 = tpu.memref_slice %arg6[%dma_wait3A_395] : memref<10240xf32, #tpu.memory_space<vmem>> -> memref<512xf32, #tpu.memory_space<vmem>>
    tpu.wait_dma2 semaphore(%arg7 : memref<!tpu.dma_semaphore, #tpu.memory_space<semaphore_mem>>) src(%dma_wait3A_396 : memref<512xf32, #tpu.memory_space<vmem>>) dst(%dma_wait3A_394 : memref<512xf32, #tpu.memory_space<hbm>>)
    %dma_wait3A_397 = arith.constant 18 : i32
    %dma_wait3A_398 = arith.constant 9216 : i32
    %dma_wait3A_399 = tpu.memref_slice %arg6[%dma_wait3A_398] : memref<10240xf32, #tpu.memory_space<vmem>> -> memref<512xf32, #tpu.memory_space<vmem>>
    %dma_wait3A_400 = tpu.memref_slice %arg4[%dma_wait3A_397, %mul3A_214] : memref<20x16384xf32, #tpu.memory_space<hbm>> -> memref<1x512xf32, #tpu.memory_space<hbm>>
    %dma_wait3A_401 = tpu.memref_squeeze %dma_wait3A_400 : memref<1x512xf32, #tpu.memory_space<hbm>> -> memref<512xf32, #tpu.memory_space<hbm>>
    %dma_wait3A_402 = tpu.memref_slice %arg4[%dma_wait3A_397, %mul3A_214] : memref<20x16384xf32, #tpu.memory_space<hbm>> -> memref<1x512xf32, #tpu.memory_space<hbm>>
    %dma_wait3A_403 = tpu.memref_squeeze %dma_wait3A_402 : memref<1x512xf32, #tpu.memory_space<hbm>> -> memref<512xf32, #tpu.memory_space<hbm>>
    %dma_wait3A_404 = arith.constant 9216 : i32
    %dma_wait3A_405 = tpu.memref_slice %arg6[%dma_wait3A_404] : memref<10240xf32, #tpu.memory_space<vmem>> -> memref<512xf32, #tpu.memory_space<vmem>>
    tpu.wait_dma2 semaphore(%arg7 : memref<!tpu.dma_semaphore, #tpu.memory_space<semaphore_mem>>) src(%dma_wait3A_405 : memref<512xf32, #tpu.memory_space<vmem>>) dst(%dma_wait3A_403 : memref<512xf32, #tpu.memory_space<hbm>>)
    %dma_wait3A_406 = arith.constant 19 : i32
    %dma_wait3A_407 = arith.constant 9728 : i32
    %dma_wait3A_408 = tpu.memref_slice %arg6[%dma_wait3A_407] : memref<10240xf32, #tpu.memory_space<vmem>> -> memref<512xf32, #tpu.memory_space<vmem>>
    %dma_wait3A_409 = tpu.memref_slice %arg4[%dma_wait3A_406, %mul3A_225] : memref<20x16384xf32, #tpu.memory_space<hbm>> -> memref<1x512xf32, #tpu.memory_space<hbm>>
    %dma_wait3A_410 = tpu.memref_squeeze %dma_wait3A_409 : memref<1x512xf32, #tpu.memory_space<hbm>> -> memref<512xf32, #tpu.memory_space<hbm>>
    %dma_wait3A_411 = tpu.memref_slice %arg4[%dma_wait3A_406, %mul3A_225] : memref<20x16384xf32, #tpu.memory_space<hbm>> -> memref<1x512xf32, #tpu.memory_space<hbm>>
    %dma_wait3A_412 = tpu.memref_squeeze %dma_wait3A_411 : memref<1x512xf32, #tpu.memory_space<hbm>> -> memref<512xf32, #tpu.memory_space<hbm>>
    %dma_wait3A_413 = arith.constant 9728 : i32
    %dma_wait3A_414 = tpu.memref_slice %arg6[%dma_wait3A_413] : memref<10240xf32, #tpu.memory_space<vmem>> -> memref<512xf32, #tpu.memory_space<vmem>>
    tpu.wait_dma2 semaphore(%arg7 : memref<!tpu.dma_semaphore, #tpu.memory_space<semaphore_mem>>) src(%dma_wait3A_414 : memref<512xf32, #tpu.memory_space<vmem>>) dst(%dma_wait3A_412 : memref<512xf32, #tpu.memory_space<hbm>>)
    return
  }
}

module attributes {stable_mosaic.version = 14 : i64} {
  func.func @body(%arg0: i32, %arg1: memref<1x8192xf32, #tpu.memory_space<vmem>>, %arg2: memref<20x20xf32, #tpu.memory_space<vmem>>, %arg3: memref<20x1xf32, #tpu.memory_space<vmem>>, %arg4: memref<20x1xf32, #tpu.memory_space<vmem>>, %arg5: memref<20x1xf32, #tpu.memory_space<vmem>>, %arg6: memref<20x8192xf32, #tpu.memory_space<vmem>>, %arg7: memref<1x8192xf32, #tpu.memory_space<vmem>>) attributes {dimension_semantics = [#tpu.dimension_semantics<arbitrary>], iteration_bounds = array<i64: 2>, scalar_prefetch = 0 : i64, scratch_operands = 0 : i64, tpu.core_type = #tpu.core_type<tc>, window_params = [{transform_indices = @transform_0, window_bounds = array<i64: 1, 8192>}, {pipeline_mode = #tpu.pipeline_mode<synchronous>, transform_indices = @transform_1, window_bounds = array<i64: 20, 20>}, {pipeline_mode = #tpu.pipeline_mode<synchronous>, transform_indices = @transform_2, window_bounds = array<i64: 20, 1>}, {pipeline_mode = #tpu.pipeline_mode<synchronous>, transform_indices = @transform_3, window_bounds = array<i64: 20, 1>}, {pipeline_mode = #tpu.pipeline_mode<synchronous>, transform_indices = @transform_4, window_bounds = array<i64: 20, 1>}, {transform_indices = @transform_5, window_bounds = array<i64: 20, 8192>}, {transform_indices = @transform_6, window_bounds = array<i64: 1, 8192>}]} {
    %get3A = arith.constant 0 : index
    %get3A_0 = arith.constant 0 : index
    %get3A_1 = vector.load %arg1[%get3A, %get3A_0] : memref<1x8192xf32, #tpu.memory_space<vmem>>, vector<1x8192xf32>
    %get3A_2 = arith.constant 0 : index
    %get3A_3 = arith.constant 0 : index
    %get3A_4 = vector.load %arg4[%get3A_2, %get3A_3] : memref<20x1xf32, #tpu.memory_space<vmem>>, vector<20x1xf32>
    %mul3A = vector.broadcast %get3A_4 : vector<20x1xf32> to vector<20x8192xf32>
    %mul3A_5 = vector.broadcast %get3A_1 : vector<1x8192xf32> to vector<20x8192xf32>
    %mul3A_6 = arith.mulf %mul3A, %mul3A_5 : vector<20x8192xf32>
    %get3A_7 = arith.constant 0 : index
    %get3A_8 = arith.constant 0 : index
    %get3A_9 = vector.load %arg5[%get3A_7, %get3A_8] : memref<20x1xf32, #tpu.memory_space<vmem>>, vector<20x1xf32>
    %add3A = vector.broadcast %get3A_9 : vector<20x1xf32> to vector<20x8192xf32>
    %add3A_10 = arith.addf %mul3A_6, %add3A : vector<20x8192xf32>
    %sin3A = math.sin %add3A_10 : vector<20x8192xf32>
    %get3A_11 = arith.constant 0 : index
    %get3A_12 = arith.constant 0 : index
    %get3A_13 = vector.load %arg2[%get3A_11, %get3A_12] : memref<20x20xf32, #tpu.memory_space<vmem>>, vector<20x20xf32>
    %dot_general3A = arith.constant dense<0.000000e+00> : vector<20x8192xf32>
    %dot_general3A_14 = tpu.matmul %get3A_13, %sin3A, %dot_general3A {dimension_numbers = #tpu.dot_dimension_numbers<[1], [0], [0], [1], [0, 0, 1, 1], [], []>, transpose_lhs_hint = false} : vector<20x20xf32>, vector<20x8192xf32>, vector<20x8192xf32> -> vector<20x8192xf32>
    %get3A_15 = arith.constant 0 : index
    %get3A_16 = arith.constant 0 : index
    %get3A_17 = vector.load %arg3[%get3A_15, %get3A_16] : memref<20x1xf32, #tpu.memory_space<vmem>>, vector<20x1xf32>
    %add3A_18 = vector.broadcast %get3A_17 : vector<20x1xf32> to vector<20x8192xf32>
    %add3A_19 = arith.addf %dot_general3A_14, %add3A_18 : vector<20x8192xf32>
    %logistic3A = arith.negf %add3A_19 : vector<20x8192xf32>
    %logistic3A_20 = math.exp %logistic3A : vector<20x8192xf32>
    %logistic3A_21 = arith.constant 1.000000e+00 : f32
    %logistic3A_22 = vector.broadcast %logistic3A_21 : f32 to vector<20x8192xf32>
    %logistic3A_23 = arith.addf %logistic3A_22, %logistic3A_20 : vector<20x8192xf32>
    %logistic3A_24 = arith.divf %logistic3A_22, %logistic3A_23 : vector<20x8192xf32>
    %get3A_25 = arith.constant 0 : index
    %get3A_26 = arith.constant 0 : index
    %get3A_27 = vector.load %arg6[%get3A_25, %get3A_26] : memref<20x8192xf32, #tpu.memory_space<vmem>>, vector<20x8192xf32>
    %mul3A_28 = arith.mulf %logistic3A_24, %get3A_27 : vector<20x8192xf32>
    %reduce_sum3A = arith.constant dense<0.000000e+00> : vector<8192xf32>
    %reduce_sum3A_29 = vector.multi_reduction <add>, %mul3A_28, %reduce_sum3A [0] : vector<20x8192xf32> to vector<8192xf32>
    %broadcast_in_dim3A = vector.shape_cast %reduce_sum3A_29 : vector<8192xf32> to vector<1x8192xf32>
    %swap3A = arith.constant 0 : index
    %swap3A_30 = arith.constant 0 : index
    %swap3A_31 = vector.load %arg7[%swap3A, %swap3A_30] : memref<1x8192xf32, #tpu.memory_space<vmem>>, vector<1x8192xf32>
    tpu.vector_store %arg7[%swap3A, %swap3A_30], %broadcast_in_dim3A {strides = array<i32>} : memref<1x8192xf32, #tpu.memory_space<vmem>>, vector<1x8192xf32>,
    return
  }
  func.func @transform_0(%arg0: i32) -> (i32, i32) {
    %c0_i32 = arith.constant 0 : i32
    %c0_i32_0 = arith.constant 0 : i32
    return %c0_i32, %arg0 : i32, i32
  }
  func.func @transform_1(%arg0: i32) -> (i32, i32) {
    %c0_i32 = arith.constant 0 : i32
    %c0_i32_0 = arith.constant 0 : i32
    %c0_i32_1 = arith.constant 0 : i32
    return %c0_i32, %c0_i32_0 : i32, i32
  }
  func.func @transform_2(%arg0: i32) -> (i32, i32) {
    %c0_i32 = arith.constant 0 : i32
    %c0_i32_0 = arith.constant 0 : i32
    %c0_i32_1 = arith.constant 0 : i32
    return %c0_i32, %c0_i32_0 : i32, i32
  }
  func.func @transform_3(%arg0: i32) -> (i32, i32) {
    %c0_i32 = arith.constant 0 : i32
    %c0_i32_0 = arith.constant 0 : i32
    %c0_i32_1 = arith.constant 0 : i32
    return %c0_i32, %c0_i32_0 : i32, i32
  }
  func.func @transform_4(%arg0: i32) -> (i32, i32) {
    %c0_i32 = arith.constant 0 : i32
    %c0_i32_0 = arith.constant 0 : i32
    %c0_i32_1 = arith.constant 0 : i32
    return %c0_i32, %c0_i32_0 : i32, i32
  }
  func.func @transform_5(%arg0: i32) -> (i32, i32) {
    %c0_i32 = arith.constant 0 : i32
    %c0_i32_0 = arith.constant 0 : i32
    return %c0_i32, %arg0 : i32, i32
  }
  func.func @transform_6(%arg0: i32) -> (i32, i32) {
    %c0_i32 = arith.constant 0 : i32
    %c0_i32_0 = arith.constant 0 : i32
    return %c0_i32, %arg0 : i32, i32
  }
}

</mosaic_0001>

<sc_bundles>
// kernel: kernel.4.cloned.1.call-start
scs
__scs_entry_jumppad:
0x0: {  	(pc) =	sbr.rel $0x88, $3  }
0x1: {  	(tag) =	ssettag $0x0;
	lr =	simm.s32 $0x1  }
0x2: {  	[smem:$0x3F9C] =	sst lr;
	_ =	strace $0xD0000000  }
0x3: {  	_ = 	snop  }
0x4: {  	_ = 	snop  }
0x5: {  	_ = 	snop  }
0x6: {  	_ = 	snop  }
0x7: {  	_ = 	snop  }
__scs_overlays_trampoline_lowered:
0x8: {  	[smem:$0x3FAB] =	sst s0  }
0x9: {  	[smem:$0x3FAC] =	sst s1  }
0xa: {  	[smem:$0x3FAD] =	sst s2  }
0xb: {  	[smem:$0x3FAE] =	sst s3  }
0xc: {  	[smem:$0x3FAF] =	sst s4  }
0xd: {  	[smem:$0x3FB0] =	sst s5  }
0xe: {  	[smem:$0x3FB1] =	sst s6  }
0xf: {  	[smem:$0x3FB2] =	sst s7  }
0x10: {  	[smem:$0x3FB3] =	sst s8  }
0x11: {  	[smem:$0x3FB4] =	sst s9;
	s0 =	simm.s32 @!p0 $0x0  }
0x12: {  	s1 =	sld [smem:$0x3F9A];
	s0 =	simm.s32 @p0 $0x1  }
0x13: {  	[smem:$0x3FB5] =	sst s0;
	s0 =	simm.s32 @!p1 $0x0  }
0x14: {  	s2 =	sld [smem:$0x3F99];
	s0 =	simm.s32 @p1 $0x1  }
0x15: {  	[smem:$0x3FB6] =	sst s0;
	s0 =	simm.s32 @!p2 $0x0  }
0x16: {  	s3 =	sld [smem:$0x3FDB];
	s0 =	simm.s32 @p2 $0x1  }
0x17: {  	s4 =	simm.s32 $0x1BF5;
	[smem:$0x3FB8] =	sst s0  }
0x18: {  	s0 =	sld [smem:$0x3F9B];
	_ =	swait.ge [sflag:s4], $0x0  }
0x19: {  	s7 =	sld [smem:$0x3F9C]  }
0x1a: {  	s8 =	sadd.s32 $0xFFFFE003, lr  }
0x1b: {  	s9 =	sadd.s32 $0xFFFFFEF7, lr;
	s5 =	simm.s32 $0xFFFFFFFF;
	p2 =	slt.u32 s8, $0xFFFFF086  }
0x1c: {  	p1 =	slt.u32 s9, $0xF7A;
	s5 =	simm.s32 @!p2 $0x0  }
0x1d: {  	s5 =	simm.s32 @p1 $0x1;
	p0 =	seq.s32 s7, s2  }
0x1e: {  	s7 =	smul.u32 @!p0 $0xF7A, s2;
	p2 =	seq.s32 @!p0 s5, $0x0  }
0x1f: {  	s9 =	smul.u32 $0xF7A, s1;
	s8 =	simm.s32 @!p0 $0x1BF5;
	p2 =	por !p2, p0  }
0x20: {  	[sflag:s8] =	ssyncset.s32 @!p0 $0xFFFFF086;
	s6 =	sadd.s32 @!p0 s3, s7;
	s7 =	simm.s32 @!p0 $0x108  }
0x21: {  	s3 =	sadd.s32 s3, s9;
	s6 =	sadd.s32 @!p0 $0x88, s6;
	s7 =	simm.s32 @p2 $0x1082  }
0x22: {  	[simem:s7], [sflag:s8] =	dma.local @!p0 [hbm:s6], $0xF7A  }
0x23: {  	s9 =	sor.u32 $0xD0000000, s2;
	s6 =	simm.s32 $0x108;
	_ =	swait.ge @!p0 [sflag:s8], $0x0  }
0x24: {  	s3 =	sadd.s32 $0x88, s3;
	s6 =	simm.s32 @!p1 $0x1082;
	[sflag:s4] =	ssyncset.s32 $0xFFFFF086  }
0x25: {  	[simem:s6], [sflag:s4] =	dma.local [hbm:s3], $0xF7A  }
0x26: {  	[smem:$0x3F9C] =	sst s1;
	(tag) =	ssettag s2;
	_ =	strace s9  }
0x27: {  	s1 =	sld [smem:$0x3FAC]  }
0x28: {  	s2 =	sld [smem:$0x3FAD]  }
0x29: {  	s4 =	sld [smem:$0x3FAF]  }
0x2a: {  	p0 =	seq.s32 s5, $0x0;
	s5 =	sld [smem:$0x3FB0]  }
0x2b: {  	s6 =	sld [smem:$0x3FB1]  }
0x2c: {  	s7 =	sld [smem:$0x3FB2]  }
0x2d: {  	s3 =	simm.s32 $0x108;
	s8 =	sld [smem:$0x3FB3]  }
0x2e: {  	s3 =	simm.s32 @!p0 $0x1082;
	s9 =	sld [smem:$0x3FB4]  }
0x2f: {  	lr =	sadd.s32 s0, s3;
	s0 =	sld [smem:$0x3FAB]  }
0x30: {  	s3 =	sld [smem:$0x3FAE]  }
0x31: {  	[smem:$0x3FB7] =	sst s10  }
0x32: {  	s10 =	sld [smem:$0x3FB5];
	_ =	sdelay $0x3  }
0x33: {  	p0 =	seq.s32 s10, $0x1;
	s10 =	sld [smem:$0x3FB7];
	_ =	sdelay $0x3  }
0x34: {  	[smem:$0x3FB7] =	sst s10  }
0x35: {  	s10 =	sld [smem:$0x3FB6];
	_ =	sdelay $0x3  }
0x36: {  	p1 =	seq.s32 s10, $0x1;
	s10 =	sld [smem:$0x3FB7];
	_ =	sdelay $0x3  }
0x37: {  	[smem:$0x3FB7] =	sst s10  }
0x38: {  	s10 =	sld [smem:$0x3FB8]  }
0x39: {  	_ = 	snop;
	(pc) =	sbr.ind lr, $3  }
0x3a: {  	_ = 	snop  }
0x3b: {  	_ = 	snop  }
0x3c: {  	p2 =	seq.s32 s10, $0x1;
	s10 =	sld [smem:$0x3FB7]  }
0x3d: {  	_ =	shalt  }
0x3e: {  	_ =	shalt  }
0x3f: {  	_ =	shalt  }
0x40: {  	_ =	shalt  }
0x41: {  	_ =	shalt  }
0x42: {  	_ =	shalt  }
0x43: {  	_ =	shalt  }
0x44: {  	_ =	shalt  }
0x45: {  	_ =	shalt  }
0x46: {  	_ =	shalt  }
0x47: {  	_ =	shalt  }
0x48: {  	_ =	shalt  }
0x49: {  	_ =	shalt  }
0x4a: {  	_ =	shalt  }
0x4b: {  	_ =	shalt  }
0x4c: {  	_ =	shalt  }
0x4d: {  	_ =	shalt  }
0x4e: {  	_ =	shalt  }
0x4f: {  	_ =	shalt  }
0x50: {  	_ =	shalt  }
0x51: {  	_ =	shalt  }
0x52: {  	_ =	shalt  }
0x53: {  	_ =	shalt  }
0x54: {  	_ =	shalt  }
0x55: {  	_ =	shalt  }
0x56: {  	_ =	shalt  }
0x57: {  	_ =	shalt  }
0x58: {  	_ =	shalt  }
0x59: {  	_ =	shalt  }
0x5a: {  	_ =	shalt  }
0x5b: {  	_ =	shalt  }
0x5c: {  	_ =	shalt  }
0x5d: {  	_ =	shalt  }
0x5e: {  	_ =	shalt  }
0x5f: {  	_ =	shalt  }
0x60: {  	_ =	shalt  }
0x61: {  	_ =	shalt  }
0x62: {  	_ =	shalt  }
0x63: {  	_ =	shalt  }
0x64: {  	_ =	shalt  }
0x65: {  	_ =	shalt  }
0x66: {  	_ =	shalt  }
0x67: {  	_ =	shalt  }
0x68: {  	_ =	shalt  }
0x69: {  	_ =	shalt  }
0x6a: {  	_ =	shalt  }
0x6b: {  	_ =	shalt  }
0x6c: {  	_ =	shalt  }
0x6d: {  	_ =	shalt  }
0x6e: {  	_ =	shalt  }
0x6f: {  	_ =	shalt  }
0x70: {  	_ =	shalt  }
0x71: {  	_ =	shalt  }
0x72: {  	_ =	shalt  }
0x73: {  	_ =	shalt  }
0x74: {  	_ =	shalt  }
0x75: {  	_ =	shalt  }
0x76: {  	_ =	shalt  }
0x77: {  	_ =	shalt  }
0x78: {  	_ =	shalt  }
0x79: {  	_ =	shalt  }
0x7a: {  	_ =	shalt  }
0x7b: {  	_ =	shalt  }
0x7c: {  	_ =	shalt  }
0x7d: {  	_ =	shalt  }
0x7e: {  	_ =	shalt  }
0x7f: {  	_ =	shalt  }
0x80: {  	_ =	shalt  }
0x81: {  	_ =	shalt  }
0x82: {  	_ =	shalt  }
0x83: {  	_ =	shalt  }
0x84: {  	_ =	shalt  }
0x85: {  	_ =	shalt  }
0x86: {  	_ =	shalt  }
0x87: {  	_ =	shalt  }
.Lfunc_end0:
.L_simem_size_0:
called_computation_lowered:
.L_overlay_start_0:
0x88: {  	s2 =	sld [smem:$0x3FD9]  }
0x89: {  	s3 =	sld [smem:$0x3FFE];
	_ =	sdelay $0x1  }
0x8a: {  	s1 =	srdreg.scid  }
0x8b: {  	s0 =	sand.u32 $0x1, s1  }
0x8c: {  	s17 =	sshll.u32 s0, $0xA;
	s2 =	sadd.s32 s3, s2  }
0x8d: {  	s2 =	sadd.s32 s2, s17  }
0x8e: {  	[smem:$0x3FC3] =	sst s2  }
0x8f: {  	_ = 	snop  }
0x90: {  	s2 =	sld [smem:$0x3FC8]  }
0x91: {  	s18 =	sld [smem:$0x3FC5];
	(tm) =	ssettm $0x1  }
0x92: {  	s4 =	sld [smem:$0x3FFB];
	_ =	sdelay $0x3  }
0x93: {  	_ =	strace s4  }
0x94: {  	s4 =	sld [smem:$0x3FFC];
	_ =	sdelay $0x3  }
0x95: {  	_ =	strace s4  }
0x96: {  	s4 =	sld [smem:$0x3FFD];
	_ =	sdelay $0x3  }
0x97: {  	_ =	strace s4  }
0x98: {  	_ =	strace $0x8FFFFFFF  }
0x99: {  	s19 =	sld [smem:$0x3FDB];
	_ =	sdelay $0x1  }
0x9a: {  	s5 =	simm.s32 $_scs_section_size  }
0x9b: {  	s6 =	simm.s32 $_size__tile_overlayer_lowered;
	s7 =	simm.s32 $_tile_overlayer_lowered  }
0x9c: {  	s22 =	simm.s32 $0x1BFF;
	s21 =	sshll.u32 s7, $0x1;
	s4 =	sadd.s32 s5, s19  }
0x9d: {  	s8 =	simm.s32 $0x0;
	s20 =	sshll.u32 s6, $0x1;
	s6 =	sadd.s32 s21, s4  }
0x9e: {  	[timem:s8], [sflag:s22] =	dma.local [hbm:s6], s20  }
0x9f: {  	_ =	swait.ge [sflag:s22], s20  }
0xa0: {  	s5 =	ssub.s32 $0x0, s20;
	[sflag:s22] =	ssyncset.done $0x0  }
0xa1: {  	[sflag:s22] =	ssyncadd.s32 s5;
	_ =	sdelay $0x1  }
0xa2: {  	s23 =	simm.s32 $0x1B8B  }
0xa3: {  	_ =	swait.ge [sflag:s23], $0x1  }
0xa4: {  	[sflag:s23] =	ssyncset.done $0x0  }
0xa5: {  	s25 =	simm.s32 $0x1B8E;
	s24 =	sld [smem:$0x3FFE];
	[sflag:s23] =	ssyncadd.s32 $0xFFFFFFFF  }
0xa6: {  	s26 =	simm.s32 $execute0_lowered;
	[smem:$0x3FD2] =	sst s25  }
0xa7: {  	s6 =	sshll.u32 s26, $0x1;
	_ =	strace $0x80000046;
	[dreg:$0x1] =	wrdreg $0xFFFFFFFF  }
0xa8: {  	s28 =	simm.s32 $_size_execute0_lowered;
	s4 =	sadd.s32 s4, s6;
	[dreg:$0x0] =	wrdreg $0x0  }
0xa9: {  	s6 =	sshll.u32 s28, $0x1;
	[dreg:$0x2] =	wrdreg s4  }
0xaa: {  	[dreg:$0x3] =	wrdreg s6  }
0xab: {  	[dreg:$0x4] =	wrdreg $0xC0  }
0xac: {  	_ =	task [dreg:s8], $0x5FFFF  }
0xad: {  	[dreg:$0x1] =	wrdreg $0xFFFFFFFF  }
0xae: {  	[dreg:$0x0] =	wrdreg $0x60  }
0xaf: {  	[dreg:$0x2] =	wrdreg s2  }
0xb0: {  	[dreg:$0x3] =	wrdreg s18  }
0xb1: {  	[dreg:$0x4] =	wrdreg s24  }
0xb2: {  	[dreg:$0x5] =	wrdreg $0x9  }
0xb3: {  	_ =	task.clear_ibuf [dreg:s8], $0x6FFFF;
	_ =	strace $0x90000046  }
0xb4: {  	s29 =	simm.s32 $0x9;
	_ =	strace $0x80000048  }
0xb5: {  	_ =	swait.ge [sflag:s29], $0x1  }
0xb6: {  	[sflag:s29] =	ssyncadd.s32 $0xFFFFFFFF  }
0xb7: {  	_ =	strace $0x90000048  }
0xb8: {  	_ =	sfence  }
0xb9: {  	s30 =	sld [smem:$0x0];
	_ =	sdelay $0x2  }
0xba: {  	s31 =	sshll.u32 s1, $0xD;
	s1 =	sshrl.u32 s1, $0x2  }
0xbb: {  	s3 =	sand.u32 $0x4000, s31;
	s1 =	sadd.s32 s1, s30  }
0xbc: {  	s0 =	sor.u32 s3, s0;
	s1 =	sshll.u32 s1, $0x11  }
0xbd: {  	s0 =	sor.u32 s1, s0  }
0xbe: {  	s0 =	sadd.s32 $0x8F2B, s0  }
0xbf: {  	[sflag:s0] =	ssyncadd.remote.s32 $0x1  }
0xc0: {  	_ =	sfence.sel $0xFFFF  }
0xc1: {  	[dreg:$0x0] =	wrdreg $0xFFFFFFFF;
	(pc) =	sbr.abs _section_cstart, $3  }
0xc2: {  	[dreg:$0x1] =	wrdreg $0xFFFFFFFF  }
0xc3: {  	_ =	task.clear_ibuf [dreg:s8], $0x2FFFF;
	_ =	strace $0x9FFFFFFF  }
0xc4: {  	(tm) =	ssettm $0x7FFFFFFF  }
0xc5: {  	_ =	shalt  }
tec
execute0_lowered:
.L_overlay_start_1:
0x0: {  	(tag) =	ssettag $0x1  }
0x1: {  	s0 =	rddreg [dreg:$0x0]  }
0x2: {  	s1 =	rddreg [dreg:$0x1]  }
0x3: {  	s2 =	rddreg [dreg:$0x2];
	s3 =	simm.s32 $0x0  }
0x4: {  	s4 =	srdreg.scid;
	s5 =	stileid.u32;
	s28 =	simm.s32 $0x80  }
0x5: {  	s29 =	simm.s32 $0x100;
	s30 =	simm.s32 $0x180;
	s4 =	sand.u32 $0x1, s4  }
0x6: {  	s31 =	simm.s32 $0x1;
	s5 =	sshll.u32 s5, $0xA;
	s6 =	sshll.u32 s4, $0x9  }
0x7: {  	[smem:$0x7FF] =	sst s3;
	s4 =	ssub.s32 $0x2, s4;
	s5 =	sor.u32 s6, s5  }
0x8: {  	s22 =	sshrl.u32 s4, $0x1;
	s2 =	sadd.s32 s5, s2;
	s5 =	sshrl.u32 s5, $0x3  }
0x9: {  	_ =	strace $0x80000047;
	s4 =	ssub.s32 s4, s22;
	s0 =	sadd.s32 s0, s5  }
0xa: {  	s23 =	sadd.s32 $0x1000, s2;
	s24 =	sadd.s32 $0x1010, s2;
	s25 =	sadd.s32 $0x1020, s2  }
0xb: {  	s26 =	sadd.s32 $0x1030, s2;
	s9 =	sadd.s32 $0x1040, s2;
	s10 =	sadd.s32 $0x1050, s2  }
0xc: {  	s11 =	sadd.s32 $0x1060, s2;
	s12 =	sadd.s32 $0x1070, s2;
	s13 =	sadd.s32 $0x5000, s2  }
0xd: {  	s14 =	sadd.s32 $0x5010, s2;
	s15 =	sadd.s32 $0x5020, s2;
	[dreg:$0x4] =	wrdreg s0  }
0xe: {  	s16 =	sadd.s32 $0x5030, s2;
	s17 =	sadd.s32 $0x5040, s2;
	[dreg:$0x5] =	wrdreg s23  }
0xf: {  	s18 =	sadd.s32 $0x5050, s2;
	s19 =	sadd.s32 $0x5060, s2;
	[dreg:$0x6] =	wrdreg s24  }
0x10: {  	s20 =	sadd.s32 $0x5070, s2;
	s21 =	sadd.s32 $0x9000, s2;
	[dreg:$0x7] =	wrdreg s25  }
0x11: {  	s22 =	sadd.s32 $0x9010, s2;
	[dreg:$0x8] =	wrdreg s26;
	s23 =	sadd.s32 $0x9020, s2  }
0x12: {  	s24 =	sadd.s32 $0x9030, s2;
	s25 =	smax.u32 s4, $0x1;
	s26 =	simm.s32 $0x2  }
0x13: {  	s0 =	simm.s32 $0x400;
	s2 =	simm.s32 $0x200;
	s4 =	simm.s32 $0x0  }
.LBB2_1:
0x14: {  	s5 =	rddreg [dreg:$0x4]  }
0x15: {  	[tilespmem:s3], [sflag:$0x2] =	stream.linear.gather [hbm4b:s5+s3], $0x200, $0x38;
	[tilespmem:$0x2A00] =	vst v63  }
0x16: {  	_ =	swait.ge [sflag:s26], $0x200  }
0x17: {  	[sflag:s26] =	ssyncset.done $0x0  }
0x18: {  	s5 =	sadd.s32 $0x0, s1;
	[sflag:s26] =	ssyncadd.s32 $0xFFFFFE00  }
0x19: {  	[tilespmem:s2], [sflag:$0x1] =	stream.indirect.gather [hbm4b:s5+s28], $0x1, s3, s28, $0xb8;
	[tilespmem:$0x2A00] =	vst v63  }
0x1a: {  	s6 =	simm.s32 $0x280  }
0x1b: {  	[tilespmem:s6], [sflag:$0x1] =	stream.indirect.gather [hbm4b:s5+s28], $0x1, s28, s28, $0xb8;
	[tilespmem:$0x2A00] =	vst v63  }
0x1c: {  	s8 =	simm.s32 $0x300  }
0x1d: {  	[tilespmem:s8], [sflag:$0x1] =	stream.indirect.gather [hbm4b:s5+s28], $0x1, s29, s28, $0xb8;
	[tilespmem:$0x2A00] =	vst v63  }
0x1e: {  	s7 =	simm.s32 $0x400;
	s6 =	simm.s32 $0x1E850;
	s8 =	simm.s32 $0x380  }
.LBB2_2:
0x1f: {  	[tilespmem:s8], [sflag:$0x1] =	stream.indirect.gather [hbm4b:s5+s28], $0x1, s30, s28, $0xb8;
	[tilespmem:$0x2A00] =	vst v63  }
0x20: {  	s5 =	sadd.s32 s6, s1;
	p0 =	sne.s32 s6, $0x243DF0;
	s6 =	sadd.s32 $0x1E850, s6  }
0x21: {  	[tilespmem:s7], [sflag:$0x1] =	stream.indirect.gather [hbm4b:s5+s28], $0x1, s3, s28, $0xb8;
	[tilespmem:$0x2A00] =	vst v63  }
.Ltmp0:
0x22: {  	s8 =	sadd.s32 $0x80, s7;
	(pc) =	sbr.rel @p0 .LBB2_2-.Ltmp0, $4  }
0x23: {  	[tilespmem:s8], [sflag:$0x1] =	stream.indirect.gather [hbm4b:s5+s28], $0x1, s28, s28, $0xb8;
	[tilespmem:$0x2A00] =	vst v63  }
0x24: {  	s8 =	sadd.s32 $0x100, s7  }
0x25: {  	[tilespmem:s8], [sflag:$0x1] =	stream.indirect.gather [hbm4b:s5+s28], $0x1, s29, s28, $0xb8;
	[tilespmem:$0x2A00] =	vst v63  }
0x26: {  	s8 =	sadd.s32 $0x180, s7;
	s7 =	sadd.s32 $0x200, s7  }
0x27: {  	[tilespmem:s8], [sflag:$0x1] =	stream.indirect.gather [hbm4b:s5+s28], $0x1, s30, s28, $0xb8;
	[tilespmem:$0x2A00] =	vst v63  }
0x28: {  	_ =	swait.ge [sflag:s31], $0x2800  }
0x29: {  	[sflag:s31] =	ssyncset.done $0x0  }
0x2a: {  	s6 =	rddreg [dreg:$0x5];
	[sflag:s31] =	ssyncadd.s32 $0xFFFFD800  }
0x2b: {  	[hbm4b:s6+s28] =	stream.strided.scatter [tilespmem:s2], [sflag:$0x1], $0x200, s0, s28, $0x38;
	[tilespmem:$0x2A00] =	vst v63  }
0x2c: {  	s7 =	rddreg [dreg:$0x6]  }
0x2d: {  	[hbm4b:s7+s28] =	stream.strided.scatter [tilespmem:s0], [sflag:$0x1], $0x200, s0, s28, $0x38;
	[tilespmem:$0x2A00] =	vst v63  }
0x2e: {  	s8 =	rddreg [dreg:$0x7];
	s6 =	simm.s32 $0x600  }
0x2f: {  	[hbm4b:s8+s28] =	stream.strided.scatter [tilespmem:s6], [sflag:$0x1], $0x200, s0, s28, $0x38;
	[tilespmem:$0x2A00] =	vst v63  }
0x30: {  	s7 =	simm.s32 $0x800;
	s6 =	rddreg [dreg:$0x8]  }
0x31: {  	[hbm4b:s6+s28] =	stream.strided.scatter [tilespmem:s7], [sflag:$0x1], $0x200, s0, s28, $0x38;
	[tilespmem:$0x2A00] =	vst v63  }
0x32: {  	s8 =	simm.s32 $0xA00  }
0x33: {  	[hbm4b:s9+s28] =	stream.strided.scatter [tilespmem:s8], [sflag:$0x1], $0x200, s0, s28, $0x38;
	[tilespmem:$0x2A00] =	vst v63  }
0x34: {  	s6 =	simm.s32 $0xC00  }
0x35: {  	[hbm4b:s10+s28] =	stream.strided.scatter [tilespmem:s6], [sflag:$0x1], $0x200, s0, s28, $0x38;
	[tilespmem:$0x2A00] =	vst v63  }
0x36: {  	s7 =	simm.s32 $0xE00  }
0x37: {  	[hbm4b:s11+s28] =	stream.strided.scatter [tilespmem:s7], [sflag:$0x1], $0x200, s0, s28, $0x38;
	[tilespmem:$0x2A00] =	vst v63  }
0x38: {  	s8 =	simm.s32 $0x1000  }
0x39: {  	[hbm4b:s12+s28] =	stream.strided.scatter [tilespmem:s8], [sflag:$0x1], $0x200, s0, s28, $0x38;
	[tilespmem:$0x2A00] =	vst v63  }
0x3a: {  	s6 =	simm.s32 $0x1200  }
0x3b: {  	[hbm4b:s13+s28] =	stream.strided.scatter [tilespmem:s6], [sflag:$0x1], $0x200, s0, s28, $0x38;
	[tilespmem:$0x2A00] =	vst v63  }
0x3c: {  	s7 =	simm.s32 $0x1400  }
0x3d: {  	[hbm4b:s14+s28] =	stream.strided.scatter [tilespmem:s7], [sflag:$0x1], $0x200, s0, s28, $0x38;
	[tilespmem:$0x2A00] =	vst v63  }
0x3e: {  	s8 =	simm.s32 $0x1600  }
0x3f: {  	[hbm4b:s15+s28] =	stream.strided.scatter [tilespmem:s8], [sflag:$0x1], $0x200, s0, s28, $0x38;
	[tilespmem:$0x2A00] =	vst v63  }
0x40: {  	s6 =	simm.s32 $0x1800  }
0x41: {  	[hbm4b:s16+s28] =	stream.strided.scatter [tilespmem:s6], [sflag:$0x1], $0x200, s0, s28, $0x38;
	[tilespmem:$0x2A00] =	vst v63  }
0x42: {  	s7 =	simm.s32 $0x1A00  }
0x43: {  	[hbm4b:s17+s28] =	stream.strided.scatter [tilespmem:s7], [sflag:$0x1], $0x200, s0, s28, $0x38;
	[tilespmem:$0x2A00] =	vst v63  }
0x44: {  	s8 =	simm.s32 $0x1C00  }
0x45: {  	[hbm4b:s18+s28] =	stream.strided.scatter [tilespmem:s8], [sflag:$0x1], $0x200, s0, s28, $0x38;
	[tilespmem:$0x2A00] =	vst v63  }
0x46: {  	s6 =	simm.s32 $0x1E00  }
0x47: {  	[hbm4b:s19+s28] =	stream.strided.scatter [tilespmem:s6], [sflag:$0x1], $0x200, s0, s28, $0x38;
	[tilespmem:$0x2A00] =	vst v63  }
0x48: {  	s7 =	simm.s32 $0x2000  }
0x49: {  	[hbm4b:s20+s28] =	stream.strided.scatter [tilespmem:s7], [sflag:$0x1], $0x200, s0, s28, $0x38;
	[tilespmem:$0x2A00] =	vst v63  }
0x4a: {  	s8 =	simm.s32 $0x2200  }
0x4b: {  	[hbm4b:s21+s28] =	stream.strided.scatter [tilespmem:s8], [sflag:$0x1], $0x200, s0, s28, $0x38;
	[tilespmem:$0x2A00] =	vst v63  }
0x4c: {  	s6 =	simm.s32 $0x2400  }
0x4d: {  	[hbm4b:s22+s28] =	stream.strided.scatter [tilespmem:s6], [sflag:$0x1], $0x200, s0, s28, $0x38;
	[tilespmem:$0x2A00] =	vst v63  }
0x4e: {  	s7 =	simm.s32 $0x2600  }
0x4f: {  	[hbm4b:s23+s28] =	stream.strided.scatter [tilespmem:s7], [sflag:$0x1], $0x200, s0, s28, $0x38;
	[tilespmem:$0x2A00] =	vst v63  }
0x50: {  	s8 =	simm.s32 $0x2800  }
0x51: {  	[hbm4b:s24+s28] =	stream.strided.scatter [tilespmem:s8], [sflag:$0x1], $0x200, s0, s28, $0x38;
	[tilespmem:$0x2A00] =	vst v63  }
0x52: {  	_ =	swait.ge [sflag:s31], $0x200  }
0x53: {  	[sflag:s31] =	ssyncset.done $0x0  }
0x54: {  	[sflag:s31] =	ssyncadd.s32 $0xFFFFFE00  }
0x55: {  	_ =	swait.ge [sflag:s31], $0x200  }
0x56: {  	[sflag:s31] =	ssyncset.done $0x0  }
0x57: {  	[sflag:s31] =	ssyncadd.s32 $0xFFFFFE00  }
0x58: {  	_ =	swait.ge [sflag:s31], $0x200  }
0x59: {  	[sflag:s31] =	ssyncset.done $0x0  }
0x5a: {  	[sflag:s31] =	ssyncadd.s32 $0xFFFFFE00  }
0x5b: {  	_ =	swait.ge [sflag:s31], $0x200  }
0x5c: {  	[sflag:s31] =	ssyncset.done $0x0  }
0x5d: {  	[sflag:s31] =	ssyncadd.s32 $0xFFFFFE00  }
0x5e: {  	_ =	swait.ge [sflag:s31], $0x200  }
0x5f: {  	[sflag:s31] =	ssyncset.done $0x0  }
0x60: {  	[sflag:s31] =	ssyncadd.s32 $0xFFFFFE00  }
0x61: {  	_ =	swait.ge [sflag:s31], $0x200  }
0x62: {  	[sflag:s31] =	ssyncset.done $0x0  }
0x63: {  	[sflag:s31] =	ssyncadd.s32 $0xFFFFFE00  }
0x64: {  	_ =	swait.ge [sflag:s31], $0x200  }
0x65: {  	[sflag:s31] =	ssyncset.done $0x0  }
0x66: {  	[sflag:s31] =	ssyncadd.s32 $0xFFFFFE00  }
0x67: {  	_ =	swait.ge [sflag:s31], $0x200  }
0x68: {  	[sflag:s31] =	ssyncset.done $0x0  }
0x69: {  	[sflag:s31] =	ssyncadd.s32 $0xFFFFFE00  }
0x6a: {  	_ =	swait.ge [sflag:s31], $0x200  }
0x6b: {  	[sflag:s31] =	ssyncset.done $0x0  }
0x6c: {  	[sflag:s31] =	ssyncadd.s32 $0xFFFFFE00  }
0x6d: {  	_ =	swait.ge [sflag:s31], $0x200  }
0x6e: {  	[sflag:s31] =	ssyncset.done $0x0  }
0x6f: {  	[sflag:s31] =	ssyncadd.s32 $0xFFFFFE00  }
0x70: {  	_ =	swait.ge [sflag:s31], $0x200  }
0x71: {  	[sflag:s31] =	ssyncset.done $0x0  }
0x72: {  	[sflag:s31] =	ssyncadd.s32 $0xFFFFFE00  }
0x73: {  	_ =	swait.ge [sflag:s31], $0x200  }
0x74: {  	[sflag:s31] =	ssyncset.done $0x0  }
0x75: {  	[sflag:s31] =	ssyncadd.s32 $0xFFFFFE00  }
0x76: {  	_ =	swait.ge [sflag:s31], $0x200  }
0x77: {  	[sflag:s31] =	ssyncset.done $0x0  }
0x78: {  	[sflag:s31] =	ssyncadd.s32 $0xFFFFFE00  }
0x79: {  	_ =	swait.ge [sflag:s31], $0x200  }
0x7a: {  	[sflag:s31] =	ssyncset.done $0x0  }
0x7b: {  	[sflag:s31] =	ssyncadd.s32 $0xFFFFFE00  }
0x7c: {  	_ =	swait.ge [sflag:s31], $0x200  }
0x7d: {  	[sflag:s31] =	ssyncset.done $0x0  }
0x7e: {  	[sflag:s31] =	ssyncadd.s32 $0xFFFFFE00  }
0x7f: {  	_ =	swait.ge [sflag:s31], $0x200  }
0x80: {  	[sflag:s31] =	ssyncset.done $0x0  }
0x81: {  	[sflag:s31] =	ssyncadd.s32 $0xFFFFFE00  }
0x82: {  	_ =	swait.ge [sflag:s31], $0x200  }
0x83: {  	[sflag:s31] =	ssyncset.done $0x0  }
0x84: {  	[sflag:s31] =	ssyncadd.s32 $0xFFFFFE00  }
0x85: {  	_ =	swait.ge [sflag:s31], $0x200  }
0x86: {  	[sflag:s31] =	ssyncset.done $0x0  }
0x87: {  	s4 =	sadd.s32 $0x1, s4;
	[sflag:s31] =	ssyncadd.s32 $0xFFFFFE00  }
0x88: {  	p0 =	sne.s32 s4, s25;
	_ =	swait.ge [sflag:s31], $0x200  }
.Ltmp1:
0x89: {  	[sflag:s31] =	ssyncset.done $0x0;
	(pc) =	sbr.rel @p0 .LBB2_1-.Ltmp1, $4  }
0x8a: {  	[sflag:s31] =	ssyncadd.s32 $0xFFFFFE00  }
0x8b: {  	_ =	swait.ge [sflag:s31], $0x200  }
0x8c: {  	[sflag:s31] =	ssyncset.done $0x0  }
0x8d: {  	[sflag:s31] =	ssyncadd.s32 $0xFFFFFE00  }
0x8e: {  	_ =	sfence.sel $0x180000  }
0x8f: {  	[bflag:$0x0] =	sbarrier.arrive $0xFFFF  }
0x90: {  	_ =	strace $0x90000047  }
0x91: {  	s0 =	stileid.u32;
	[bflag:$0x2] =	sbarrier.arrive $0xFFFF  }
0x92: {  	p0 =	sne.s32 s0, $0x0;
	s0 =	rddreg [dreg:$0x3]  }
0x93: {  	s0 =	sadd.s32 @!p0 $0x100000, s0  }
0x94: {  	[sflag:s0] =	ssyncadd.tile.s32 @!p0 $0x1;
	_ =	shalt  }
.Lfunc_end2:
_tile_overlayer_lowered:
.L_overlay_start_2:
0x95: {  	(tag) =	ssettag $0x2  }
0x96: {  	s0 =	rddreg [dreg:$0x0];
	s2 =	stileid.u32  }
0x97: {  	s1 =	rddreg [dreg:$0x1];
	p0 =	sne.s32 s2, $0x0  }
0x98: {  	s3 =	rddreg [dreg:$0x2];
	[bflag:$0x3] =	sbarrier.arrive $0xFFFF;
	s2 =	simm.s32 @!p0 $0x1C02  }
0x99: {  	[timem:s3], [sflag:s2] =	dma.local @!p0 [hbm:s0], s1  }
0x9a: {  	s0 =	simm.s32 @!p0 $0x2  }
0x9b: {  	_ =	swait.ge @!p0 [sflag:s0], s1  }
0x9c: {  	s1 =	ssub.s32 @!p0 $0x0, s1;
	[sflag:s0] =	ssyncset.done @!p0 $0x0  }
0x9d: {  	[sflag:s0] =	ssyncadd.s32 @!p0 s1  }
0x9e: {  	[bflag:$0x3] =	sbarrier.arrive $0xFFFF  }
0x9f: {  	_ =	shalt  }

</sc_bundles>
